<compile_context>
chip_gen: v7x
topology: tpu7x:2x2x1
jax: 0.10.2.dev20260603
libtpu: 0.0.44.dev20260713+nightly
codegen_flags: <defaults>
</compile_context>

<pallas_src>
import functools

import jax
import jax.numpy as jnp
from jax import lax
from jax.experimental import pallas as pl
from jax.experimental.pallas import tpu as pltpu
from jax.experimental.pallas import tpu_sc as plsc

_K = 1024
_BINS = 2 * _K
_NTILES = 32
_CHUNK = 65536
_NPIX = 8 * 512 * 512


def _tc_seg_body(seg_ref, lab_ref, cid_ref, part_ref):
    b = pl.program_id(0)
    d = seg_ref[:, 1] - seg_ref[:, 0]
    lab = lab_ref[...]
    z = jnp.where(lab == 1, -d, d)
    sp = jnp.maximum(z, 0.0) + jnp.log1p(jnp.exp(-jnp.abs(z)))
    bi = jnp.minimum(((z + 8.0) * 64.0).astype(jnp.int32), _K - 1)
    bi = jnp.maximum(bi, 0)
    cid_ref[...] = bi + _K * lab
    s_nll = jnp.sum(sp)
    s_z = jnp.sum(z)

    @pl.when(b == 0)
    def _():
        part_ref[0, 0] = s_nll
        part_ref[0, 1] = s_z

    @pl.when(b != 0)
    def _():
        part_ref[0, 0] += s_nll
        part_ref[0, 1] += s_z


def _tc_rec_body(rp_ref, rt_ref, part_ref):
    b = pl.program_id(0)
    s_rec = jnp.sum(jnp.abs(rp_ref[...] - rt_ref[...]))

    @pl.when(b == 0)
    def _():
        part_ref[0, 0] = s_rec

    @pl.when(b != 0)
    def _():
        part_ref[0, 0] += s_rec


def _sc_hist_body(cid_hbm, out_hbm, inbuf, hist, outbuf):
    wid = lax.axis_index("s") * 2 + lax.axis_index("c")
    img = wid // 4
    quarter = wid % 4
    pltpu.sync_copy(cid_hbm.at[img, pl.ds(quarter * 128, 128)], inbuf)
    zeros = jnp.zeros((16,), jnp.float32)
    ones = jnp.ones((16,), jnp.float32)
    lane_base = lax.iota(jnp.int32, 16) * _BINS

    def zbody(i, c):
        for u in range(8):
            hist[pl.ds(i * 128 + u * 16, 16)] = zeros
        return c

    lax.fori_loop(0, (16 * _BINS) // 128, zbody, 0)

    @plsc.parallel_loop(0, _CHUNK // 16, unroll=8)
    def _scatter(i):
        v = inbuf[i // 32, pl.ds((i % 32) * 16, 16)]
        plsc.addupdate_scatter(hist, [v + lane_base], ones)

    def rbody(cch, c):
        acc = hist[pl.ds(cch * 16, 16)]
        for l in range(1, 16):
            acc = acc + hist[pl.ds(l * _BINS + cch * 16, 16)]
        outbuf[pl.ds(cch * 16, 16)] = acc
        return c

    lax.fori_loop(0, _BINS // 16, rbody, 0)
    pltpu.sync_copy(outbuf, out_hbm.at[wid])


@functools.cache
def _sc_hist():
    return pl.kernel(
        _sc_hist_body,
        out_type=jax.ShapeDtypeStruct((_NTILES, _BINS), jnp.float32),
        mesh=plsc.VectorSubcoreMesh(core_axis_name="c", subcore_axis_name="s"),
        scratch_types=[
            pltpu.VMEM((128, 512), jnp.int32),
            pltpu.VMEM((16 * _BINS,), jnp.float32),
            pltpu.VMEM((_BINS,), jnp.float32),
        ],
        compiler_params=pltpu.CompilerParams(needs_layout_passes=False),
    )


def _tc2_body(hist_ref, part_ref, rpart_ref, al_ref, lab_ref, out_ref):
    h = hist_ref[...]
    dot = functools.partial(
        jax.lax.dot_general,
        precision=jax.lax.Precision.HIGHEST,
        preferred_element_type=jnp.float32,
    )
    ti = lax.broadcasted_iota(jnp.int32, (8, _NTILES), 1)
    ri = lax.broadcasted_iota(jnp.int32, (8, _NTILES), 0)
    m = (ti // 4 == ri).astype(jnp.float32)
    him = dot(m, h, (((1,), (0,)), ((), ())))
    h1 = him[:, _K:]
    n = him[:, :_K] + h1

    def suffix_sum(x):
        sh = 1
        while sh < _K:
            x = x + jnp.concatenate(
                [x[:, sh:], jnp.zeros((8, sh), jnp.float32)], axis=1)
            sh *= 2
        return x

    i_cum = suffix_sum(n)
    f1 = suffix_sum(h1)
    p1 = f1[:, 0:1]
    ptot = i_cum[:, 0:1]

    mm = lax.broadcasted_iota(jnp.int32, (1, _K), 1)
    zmid = (mm.astype(jnp.float32) + 0.5) / 64.0 - 8.0
    em = 1.0 / (1.0 + jnp.exp(-zmid))
    em_prev = 1.0 / (1.0 + jnp.exp(-(zmid - 1.0 / 64.0)))
    w = em - jnp.where(mm == 0, 0.0, em_prev)

    def loss_for(f, p):
        denom = jnp.maximum(p + i_cum - f, 1.0)
        jac = 1.0 - (p - f) / denom
        jac = jnp.where(i_cum > 0, jac, 0.0)
        return jnp.sum(jac * w, axis=1, keepdims=True)

    l1 = loss_for(f1, p1)
    l0 = loss_for(i_cum - f1, ptot - p1)
    pr1 = (p1 > 0).astype(jnp.float32)
    pr0 = (ptot - p1 > 0).astype(jnp.float32)
    per_img = (pr0 * l0 + pr1 * l1) / jnp.maximum(pr0 + pr1, 1.0)
    lovasz = jnp.sum(per_img) / 8.0
    a = al_ref[...]
    mx = jnp.max(a, axis=1, keepdims=True)
    lse = jnp.log(jnp.sum(jnp.exp(a - mx), axis=1, keepdims=True)) + mx
    logp = a - lse
    colj = lax.broadcasted_iota(jnp.int32, (8, 8), 1)
    pick = jnp.sum(jnp.where(colj == lab_ref[...], logp, 0.0), axis=1)
    align_ce = -jnp.sum(pick) / 8.0
    nll_sum = part_ref[0, 0]
    smooth_sum = 2.0 * nll_sum - part_ref[0, 1]
    seg_ce = 0.9 * (nll_sum / _NPIX) + 0.05 * (smooth_sum / _NPIX)
    rec = rpart_ref[0, 0] / (3 * _NPIX)
    out_ref[0, 0] = 3.0 * (seg_ce + lovasz) + align_ce + rec


def kernel(seg_logits, seg_labels, align_logits, align_labels, rec_pred, rec_target):
    cid, partials = pl.pallas_call(
        _tc_seg_body,
        grid=(4,),
        in_specs=[
            pl.BlockSpec((2, 2, 512, 512), lambda b: (b, 0, 0, 0)),
            pl.BlockSpec((2, 512, 512), lambda b: (b, 0, 0)),
        ],
        out_specs=[
            pl.BlockSpec((2, 512, 512), lambda b: (b, 0, 0)),
            pl.BlockSpec(memory_space=pltpu.SMEM),
        ],
        out_shape=[
            jax.ShapeDtypeStruct((8, 512, 512), jnp.int32),
            jax.ShapeDtypeStruct((1, 2), jnp.float32),
        ],
    )(seg_logits, seg_labels.astype(jnp.int32))

    hist = _sc_hist()(cid)

    rec_partial = pl.pallas_call(
        _tc_rec_body,
        grid=(4,),
        in_specs=[
            pl.BlockSpec((2, 3, 512, 512), lambda b: (b, 0, 0, 0)),
            pl.BlockSpec((2, 3, 512, 512), lambda b: (b, 0, 0, 0)),
        ],
        out_specs=pl.BlockSpec(memory_space=pltpu.SMEM),
        out_shape=jax.ShapeDtypeStruct((1, 1), jnp.float32),
    )(rec_pred, rec_target)

    total = pl.pallas_call(
        _tc2_body,
        in_specs=[
            pl.BlockSpec(memory_space=pltpu.VMEM),
            pl.BlockSpec(memory_space=pltpu.SMEM),
            pl.BlockSpec(memory_space=pltpu.SMEM),
            pl.BlockSpec(memory_space=pltpu.VMEM),
            pl.BlockSpec(memory_space=pltpu.VMEM),
        ],
        out_specs=pl.BlockSpec(memory_space=pltpu.SMEM),
        out_shape=jax.ShapeDtypeStruct((1, 1), jnp.float32),
    )(hist, partials, rec_partial, align_logits,
      align_labels.astype(jnp.int32).reshape(8, 1))
    return total.reshape(())

# --- scband reference (transcript-rebuilt; emitter-appended) ---
"""Pipeline reference for scband-adcdnet-loss-90812788506851 (READ-ONLY COPY).

The authoritative reference and input builder live on the scoring server;
editing this copy changes nothing except your own understanding.
"""

import jax, jax.numpy as jnp
import numpy as np


def _lovasz_grad(gt_sorted):
    gts = jnp.sum(gt_sorted)
    intersection = gts - jnp.cumsum(gt_sorted)
    union = gts + jnp.cumsum(1.0 - gt_sorted)
    jaccard = 1.0 - intersection / union
    jaccard = jnp.concatenate([jaccard[:1], jaccard[1:] - jaccard[:-1]])
    return jaccard


def setup_inputs(seed: int = 0):
    key = jax.random.key(seed)
    k1, k2, k3, k4, k5, k6 = jax.random.split(key, 6)
    seg_logits = jax.random.normal(k1, (8, 2, 512, 512), dtype=jnp.float32)
    seg_labels = jax.random.randint(k2, (8, 512, 512), 0, 2)
    align_logits = jax.random.normal(k3, (8, 8), dtype=jnp.float32)
    align_labels = jax.random.randint(k4, (8,), 0, 8)
    rec_pred = jax.random.normal(k5, (8, 3, 512, 512), dtype=jnp.float32)
    rec_target = jax.random.uniform(k6, (8, 3, 512, 512), dtype=jnp.float32)
    return {"seg_logits": seg_logits, "seg_labels": seg_labels, "align_logits": align_logits, "align_labels": align_labels, "rec_pred": rec_pred, "rec_target": rec_target}


def reference(seg_logits, seg_labels, align_logits, align_labels, rec_pred, rec_target):
    ce_weight = 3.0
    rec_weight = 1.0
    smooth_factor = 0.1
    B, C = seg_logits.shape[0], seg_logits.shape[1]
    # SoftCrossEntropyLoss (label-smoothed CE, ignore_index path with no ignored labels)
    logp = jax.nn.log_softmax(seg_logits, axis=1)
    tgt = seg_labels[:, None, :, :]
    nll = -jnp.take_along_axis(logp, tgt, axis=1)
    smooth_l = -jnp.sum(logp, axis=1, keepdims=True)
    seg_ce = (1.0 - smooth_factor) * jnp.mean(nll) + (smooth_factor / C) * jnp.mean(smooth_l)
    # LovaszLoss multiclass, from_logits=True, per_image=True, classes='present'
    probs = jax.nn.softmax(seg_logits, axis=1)
    per_image_losses = []
    for b in range(B):
        # faithful to _flatten_probas: movedim(0, -1) on [1,C,H,W] then view(-1, C)
        pf = jnp.moveaxis(probs[b:b + 1], 0, -1).reshape(-1, C)
        lf = seg_labels[b].reshape(-1)
        cls_loss_sum = jnp.zeros((), dtype=pf.dtype)
        cls_count = jnp.zeros((), dtype=pf.dtype)
        for c in range(C):
            fg = (lf == c).astype(pf.dtype)
            present = (jnp.sum(fg) > 0).astype(pf.dtype)  # classes='present'
            class_pred = pf[:, c]
            errors = jnp.abs(fg - class_pred)
            perm = jnp.argsort(-errors)
            errors_sorted = errors[perm]
            fg_sorted = fg[perm]
            cls_loss_sum = cls_loss_sum + present * jnp.dot(errors_sorted, _lovasz_grad(fg_sorted))
            cls_count = cls_count + present
        per_image_losses.append(cls_loss_sum / cls_count)
    lovasz = sum(per_image_losses) / B
    # alignment CE (nn.CrossEntropyLoss, mean)
    lpa = jax.nn.log_softmax(align_logits, axis=-1)
    align_ce = -jnp.mean(jnp.take_along_axis(lpa, align_labels[:, None], axis=-1))
    # reconstruction L1
    rec = jnp.mean(jnp.abs(rec_pred - rec_target))
    total = ce_weight * (seg_ce + lovasz) + align_ce + rec_weight * rec
    return total

if __name__ == "__main__":
    import jax
    _d = setup_inputs()
    print(jax.jit(kernel)(*tuple(_d.values())))

</pallas_src>

<mosaic_0001>
#map = affine_map<(d0, d1) -> (0, 0, 0)>
#map1 = affine_map<(d0, d1) -> (0, 0)>
module attributes {stable_mosaic.version = 14 : i64} {
  func.func @_sc_hist_body(%arg0: i32, %arg1: i32, %arg2: memref<8x512x512xi32, #tpu.memory_space<hbm>>, %arg3: memref<32x2048xf32, #tpu.memory_space<hbm>>, %arg4: memref<128x512xi32, #tpu.memory_space<vmem>>, %arg5: memref<32768xf32, #tpu.memory_space<vmem>>, %arg6: memref<2048xf32, #tpu.memory_space<vmem>>) attributes {dimension_semantics = [#tpu.dimension_semantics<core_parallel>, #tpu.dimension_semantics<subcore_parallel>], iteration_bounds = array<i64: 2, 16>, scalar_prefetch = 0 : i64, scratch_operands = 3 : i64, tpu.core_type = #tpu.core_type<sc_vector_subcore>, window_params = [{transform_indices = #map}, {transform_indices = #map1}]} {
    %mul3A = arith.constant 2 : i32
    %mul3A_0 = arith.muli %arg1, %mul3A : i32
    %add3A = arith.addi %mul3A_0, %arg0 : i32
    %jit3A = arith.constant 4 : i32
    %div3A = arith.divsi %add3A, %jit3A : i32
    %sign3A = arith.constant 0 : i32
    %sign3A_1 = arith.cmpi sgt, %add3A, %sign3A : i32
    %sign3A_2 = arith.extui %sign3A_1 : i1 to i32
    %sign3A_3 = arith.constant 0 : i32
    %sign3A_4 = arith.cmpi slt, %add3A, %sign3A_3 : i32
    %sign3A_5 = arith.extui %sign3A_4 : i1 to i32
    %sign3A_6 = arith.subi %sign3A_2, %sign3A_5 : i32
    %sign3A_7 = arith.constant 0 : i32
    %sign3A_8 = arith.cmpi sgt, %jit3A, %sign3A_7 : i32
    %sign3A_9 = arith.extui %sign3A_8 : i1 to i32
    %sign3A_10 = arith.constant 0 : i32
    %sign3A_11 = arith.cmpi slt, %jit3A, %sign3A_10 : i32
    %sign3A_12 = arith.extui %sign3A_11 : i1 to i32
    %sign3A_13 = arith.subi %sign3A_9, %sign3A_12 : i32
    %ne3A = arith.cmpi ne, %sign3A_6, %sign3A_13 : i32
    %rem3A = arith.remsi %add3A, %jit3A : i32
    %ne3A_14 = arith.constant 0 : i32
    %ne3A_15 = arith.cmpi ne, %rem3A, %ne3A_14 : i32
    %and3A = arith.andi %ne3A, %ne3A_15 : i1
    %sub3A = arith.constant 1 : i32
    %sub3A_16 = arith.subi %div3A, %sub3A : i32
    %select_n3A = arith.select %and3A, %sub3A_16, %div3A : i32
    %jit3A_17 = arith.constant 4 : i32
    %eq3A = arith.constant 0 : i32
    %eq3A_18 = arith.cmpi eq, %jit3A_17, %eq3A : i32
    %jit3A_19 = arith.constant 1 : i32
    %select_n3A_20 = arith.select %eq3A_18, %jit3A_19, %jit3A_17 : i32
    %rem3A_21 = arith.remsi %add3A, %select_n3A_20 : i32
    %ne3A_22 = arith.constant 0 : i32
    %ne3A_23 = arith.cmpi ne, %rem3A_21, %ne3A_22 : i32
    %lt3A = arith.constant 0 : i32
    %lt3A_24 = arith.cmpi slt, %rem3A_21, %lt3A : i32
    %lt3A_25 = arith.constant 0 : i32
    %lt3A_26 = arith.cmpi slt, %select_n3A_20, %lt3A_25 : i32
    %ne3A_27 = arith.xori %lt3A_24, %lt3A_26 : i1
    %and3A_28 = arith.andi %ne3A_27, %ne3A_23 : i1
    %add3A_29 = arith.addi %rem3A_21, %select_n3A_20 : i32
    %select_n3A_30 = arith.select %and3A_28, %add3A_29, %rem3A_21 : i32
    %mul3A_31 = arith.constant 128 : i32
    %mul3A_32 = arith.muli %select_n3A_30, %mul3A_31 : i32
    "tpu.region"() ({
      %run_scoped3A = tpu.sem_alloc : memref<!tpu.dma_semaphore, #tpu.memory_space<semaphore_mem>>
      %dma_start3A = arith.constant 0 : i32
      %dma_start3A_52 = tpu.memref_slice %arg2[%select_n3A, %mul3A_32, %dma_start3A] : memref<8x512x512xi32, #tpu.memory_space<hbm>> -> memref<1x128x512xi32, #tpu.memory_space<hbm>>
      %dma_start3A_53 = tpu.memref_squeeze %dma_start3A_52 : memref<1x128x512xi32, #tpu.memory_space<hbm>> -> memref<128x512xi32, #tpu.memory_space<hbm>>
      %dma_start3A_54 = arith.constant 0 : i32
      %dma_start3A_55 = tpu.memref_slice %arg2[%select_n3A, %mul3A_32, %dma_start3A_54] : memref<8x512x512xi32, #tpu.memory_space<hbm>> -> memref<1x128x512xi32, #tpu.memory_space<hbm>>
      %dma_start3A_56 = tpu.memref_squeeze %dma_start3A_55 : memref<1x128x512xi32, #tpu.memory_space<hbm>> -> memref<128x512xi32, #tpu.memory_space<hbm>>
      tpu.enqueue_dma source(%dma_start3A_56 : memref<128x512xi32, #tpu.memory_space<hbm>>) target(%arg4 : memref<128x512xi32, #tpu.memory_space<vmem>>) target_semaphore(%run_scoped3A : memref<!tpu.dma_semaphore, #tpu.memory_space<semaphore_mem>>)
      %dma_wait3A = arith.constant 0 : i32
      %dma_wait3A_57 = tpu.memref_slice %arg2[%select_n3A, %mul3A_32, %dma_wait3A] : memref<8x512x512xi32, #tpu.memory_space<hbm>> -> memref<1x128x512xi32, #tpu.memory_space<hbm>>
      %dma_wait3A_58 = tpu.memref_squeeze %dma_wait3A_57 : memref<1x128x512xi32, #tpu.memory_space<hbm>> -> memref<128x512xi32, #tpu.memory_space<hbm>>
      %dma_wait3A_59 = arith.constant 0 : i32
      %dma_wait3A_60 = tpu.memref_slice %arg2[%select_n3A, %mul3A_32, %dma_wait3A_59] : memref<8x512x512xi32, #tpu.memory_space<hbm>> -> memref<1x128x512xi32, #tpu.memory_space<hbm>>
      %dma_wait3A_61 = tpu.memref_squeeze %dma_wait3A_60 : memref<1x128x512xi32, #tpu.memory_space<hbm>> -> memref<128x512xi32, #tpu.memory_space<hbm>>
      tpu.wait_dma2 semaphore(%run_scoped3A : memref<!tpu.dma_semaphore, #tpu.memory_space<semaphore_mem>>) src(%dma_wait3A_61 : memref<128x512xi32, #tpu.memory_space<hbm>>) dst(%arg4 : memref<128x512xi32, #tpu.memory_space<vmem>>)
      tpu.yield
    }) : () -> ()
    %broadcast_in_dim3A = arith.constant 0.000000e+00 : f32
    %broadcast_in_dim3A_33 = vector.broadcast %broadcast_in_dim3A : f32 to vector<16xf32>
    %broadcast_in_dim3A_34 = arith.constant 1.000000e+00 : f32
    %broadcast_in_dim3A_35 = vector.broadcast %broadcast_in_dim3A_34 : f32 to vector<16xf32>
    %iota3A = tpu.iota {dimensions = array<i32: 0>} : vector<16xi32>
    %mul3A_36 = arith.constant 2048 : i32
    %mul3A_37 = vector.broadcast %mul3A_36 : i32 to vector<16xi32>
    %mul3A_38 = arith.muli %iota3A, %mul3A_37 : vector<16xi32>
    %scan3A = arith.constant 0 : i32
    %scan3A_39 = arith.constant 0 : i32
    %scan3A_40 = arith.constant 256 : i32
    %scan3A_41 = arith.addi %scan3A_39, %scan3A_40 : i32
    %scan3A_42 = arith.constant 1 : i32
    scf.for %scan3A_52 = %scan3A_39 to %scan3A_41 step %scan3A_42  : i32 {
      %mul3A_53 = arith.constant 128 : i32
      %mul3A_54 = arith.muli %scan3A_52, %mul3A_53 : i32
      %add3A_55 = arith.constant 0 : i32
      %add3A_56 = arith.addi %mul3A_54, %add3A_55 : i32
      %swap3A = arith.index_cast %add3A_56 : i32 to index
      %swap3A_57 = tpu.vector_load %arg5[%swap3A] {strides = array<i32>} : memref<32768xf32, #tpu.memory_space<vmem>>, vector<16xf32>,
      tpu.vector_store %arg5[%swap3A], %broadcast_in_dim3A_33 {strides = array<i32>} : memref<32768xf32, #tpu.memory_space<vmem>>, vector<16xf32>,
      %mul3A_58 = arith.constant 128 : i32
      %mul3A_59 = arith.muli %scan3A_52, %mul3A_58 : i32
      %add3A_60 = arith.constant 16 : i32
      %add3A_61 = arith.addi %mul3A_59, %add3A_60 : i32
      %swap3A_62 = arith.index_cast %add3A_61 : i32 to index
      %swap3A_63 = tpu.vector_load %arg5[%swap3A_62] {strides = array<i32>} : memref<32768xf32, #tpu.memory_space<vmem>>, vector<16xf32>,
      tpu.vector_store %arg5[%swap3A_62], %broadcast_in_dim3A_33 {strides = array<i32>} : memref<32768xf32, #tpu.memory_space<vmem>>, vector<16xf32>,
      %mul3A_64 = arith.constant 128 : i32
      %mul3A_65 = arith.muli %scan3A_52, %mul3A_64 : i32
      %add3A_66 = arith.constant 32 : i32
      %add3A_67 = arith.addi %mul3A_65, %add3A_66 : i32
      %swap3A_68 = arith.index_cast %add3A_67 : i32 to index
      %swap3A_69 = tpu.vector_load %arg5[%swap3A_68] {strides = array<i32>} : memref<32768xf32, #tpu.memory_space<vmem>>, vector<16xf32>,
      tpu.vector_store %arg5[%swap3A_68], %broadcast_in_dim3A_33 {strides = array<i32>} : memref<32768xf32, #tpu.memory_space<vmem>>, vector<16xf32>,
      %mul3A_70 = arith.constant 128 : i32
      %mul3A_71 = arith.muli %scan3A_52, %mul3A_70 : i32
      %add3A_72 = arith.constant 48 : i32
      %add3A_73 = arith.addi %mul3A_71, %add3A_72 : i32
      %swap3A_74 = arith.index_cast %add3A_73 : i32 to index
      %swap3A_75 = tpu.vector_load %arg5[%swap3A_74] {strides = array<i32>} : memref<32768xf32, #tpu.memory_space<vmem>>, vector<16xf32>,
      tpu.vector_store %arg5[%swap3A_74], %broadcast_in_dim3A_33 {strides = array<i32>} : memref<32768xf32, #tpu.memory_space<vmem>>, vector<16xf32>,
      %mul3A_76 = arith.constant 128 : i32
      %mul3A_77 = arith.muli %scan3A_52, %mul3A_76 : i32
      %add3A_78 = arith.constant 64 : i32
      %add3A_79 = arith.addi %mul3A_77, %add3A_78 : i32
      %swap3A_80 = arith.index_cast %add3A_79 : i32 to index
      %swap3A_81 = tpu.vector_load %arg5[%swap3A_80] {strides = array<i32>} : memref<32768xf32, #tpu.memory_space<vmem>>, vector<16xf32>,
      tpu.vector_store %arg5[%swap3A_80], %broadcast_in_dim3A_33 {strides = array<i32>} : memref<32768xf32, #tpu.memory_space<vmem>>, vector<16xf32>,
      %mul3A_82 = arith.constant 128 : i32
      %mul3A_83 = arith.muli %scan3A_52, %mul3A_82 : i32
      %add3A_84 = arith.constant 80 : i32
      %add3A_85 = arith.addi %mul3A_83, %add3A_84 : i32
      %swap3A_86 = arith.index_cast %add3A_85 : i32 to index
      %swap3A_87 = tpu.vector_load %arg5[%swap3A_86] {strides = array<i32>} : memref<32768xf32, #tpu.memory_space<vmem>>, vector<16xf32>,
      tpu.vector_store %arg5[%swap3A_86], %broadcast_in_dim3A_33 {strides = array<i32>} : memref<32768xf32, #tpu.memory_space<vmem>>, vector<16xf32>,
      %mul3A_88 = arith.constant 128 : i32
      %mul3A_89 = arith.muli %scan3A_52, %mul3A_88 : i32
      %add3A_90 = arith.constant 96 : i32
      %add3A_91 = arith.addi %mul3A_89, %add3A_90 : i32
      %swap3A_92 = arith.index_cast %add3A_91 : i32 to index
      %swap3A_93 = tpu.vector_load %arg5[%swap3A_92] {strides = array<i32>} : memref<32768xf32, #tpu.memory_space<vmem>>, vector<16xf32>,
      tpu.vector_store %arg5[%swap3A_92], %broadcast_in_dim3A_33 {strides = array<i32>} : memref<32768xf32, #tpu.memory_space<vmem>>, vector<16xf32>,
      %mul3A_94 = arith.constant 128 : i32
      %mul3A_95 = arith.muli %scan3A_52, %mul3A_94 : i32
      %add3A_96 = arith.constant 112 : i32
      %add3A_97 = arith.addi %mul3A_95, %add3A_96 : i32
      %swap3A_98 = arith.index_cast %add3A_97 : i32 to index
      %swap3A_99 = tpu.vector_load %arg5[%swap3A_98] {strides = array<i32>} : memref<32768xf32, #tpu.memory_space<vmem>>, vector<16xf32>,
      tpu.vector_store %arg5[%swap3A_98], %broadcast_in_dim3A_33 {strides = array<i32>} : memref<32768xf32, #tpu.memory_space<vmem>>, vector<16xf32>,
    }
    %scan3A_43 = arith.constant 256 : i32
    %parallel_loop3A = arith.constant 0 : i32
    %parallel_loop3A_44 = arith.constant 4096 : i32
    %parallel_loop3A_45 = arith.constant 1 : i32
    scf.for %parallel_loop3A_52 = %parallel_loop3A to %parallel_loop3A_44 step %parallel_loop3A_45  : i32 {
      %parallel_loop3A_53 = arith.constant 32 : i32
      %parallel_loop3A_54 = arith.divsi %parallel_loop3A_52, %parallel_loop3A_53 : i32
      %parallel_loop3A_55 = arith.constant 0 : i32
      %parallel_loop3A_56 = arith.cmpi sgt, %parallel_loop3A_52, %parallel_loop3A_55 : i32
      %parallel_loop3A_57 = arith.extui %parallel_loop3A_56 : i1 to i32
      %parallel_loop3A_58 = arith.constant 0 : i32
      %parallel_loop3A_59 = arith.cmpi slt, %parallel_loop3A_52, %parallel_loop3A_58 : i32
      %parallel_loop3A_60 = arith.extui %parallel_loop3A_59 : i1 to i32
      %parallel_loop3A_61 = arith.subi %parallel_loop3A_57, %parallel_loop3A_60 : i32
      %parallel_loop3A_62 = arith.constant 0 : i32
      %parallel_loop3A_63 = arith.cmpi sgt, %parallel_loop3A_53, %parallel_loop3A_62 : i32
      %parallel_loop3A_64 = arith.extui %parallel_loop3A_63 : i1 to i32
      %parallel_loop3A_65 = arith.constant 0 : i32
      %parallel_loop3A_66 = arith.cmpi slt, %parallel_loop3A_53, %parallel_loop3A_65 : i32
      %parallel_loop3A_67 = arith.extui %parallel_loop3A_66 : i1 to i32
      %parallel_loop3A_68 = arith.subi %parallel_loop3A_64, %parallel_loop3A_67 : i32
      %parallel_loop3A_69 = arith.cmpi ne, %parallel_loop3A_61, %parallel_loop3A_68 : i32
      %parallel_loop3A_70 = arith.remsi %parallel_loop3A_52, %parallel_loop3A_53 : i32
      %parallel_loop3A_71 = arith.constant 0 : i32
      %parallel_loop3A_72 = arith.cmpi ne, %parallel_loop3A_70, %parallel_loop3A_71 : i32
      %parallel_loop3A_73 = arith.andi %parallel_loop3A_69, %parallel_loop3A_72 : i1
      %parallel_loop3A_74 = arith.constant 1 : i32
      %parallel_loop3A_75 = arith.subi %parallel_loop3A_54, %parallel_loop3A_74 : i32
      %parallel_loop3A_76 = arith.select %parallel_loop3A_73, %parallel_loop3A_75, %parallel_loop3A_54 : i32
      %parallel_loop3A_77 = arith.constant 32 : i32
      %parallel_loop3A_78 = arith.constant 0 : i32
      %parallel_loop3A_79 = arith.cmpi eq, %parallel_loop3A_77, %parallel_loop3A_78 : i32
      %parallel_loop3A_80 = arith.constant 1 : i32
      %parallel_loop3A_81 = arith.select %parallel_loop3A_79, %parallel_loop3A_80, %parallel_loop3A_77 : i32
      %parallel_loop3A_82 = arith.remsi %parallel_loop3A_52, %parallel_loop3A_81 : i32
      %parallel_loop3A_83 = arith.constant 0 : i32
      %parallel_loop3A_84 = arith.cmpi ne, %parallel_loop3A_82, %parallel_loop3A_83 : i32
      %parallel_loop3A_85 = arith.constant 0 : i32
      %parallel_loop3A_86 = arith.cmpi slt, %parallel_loop3A_82, %parallel_loop3A_85 : i32
      %parallel_loop3A_87 = arith.constant 0 : i32
      %parallel_loop3A_88 = arith.cmpi slt, %parallel_loop3A_81, %parallel_loop3A_87 : i32
      %parallel_loop3A_89 = arith.xori %parallel_loop3A_86, %parallel_loop3A_88 : i1
      %parallel_loop3A_90 = arith.andi %parallel_loop3A_89, %parallel_loop3A_84 : i1
      %parallel_loop3A_91 = arith.addi %parallel_loop3A_82, %parallel_loop3A_81 : i32
      %parallel_loop3A_92 = arith.select %parallel_loop3A_90, %parallel_loop3A_91, %parallel_loop3A_82 : i32
      %parallel_loop3A_93 = arith.constant 16 : i32
      %parallel_loop3A_94 = arith.muli %parallel_loop3A_92, %parallel_loop3A_93 : i32
      %parallel_loop3A_95 = arith.index_cast %parallel_loop3A_76 : i32 to index
      %parallel_loop3A_96 = arith.index_cast %parallel_loop3A_94 : i32 to index
      %parallel_loop3A_97 = tpu.vector_load %arg4[%parallel_loop3A_95, %parallel_loop3A_96] {strides = array<i32>} : memref<128x512xi32, #tpu.memory_space<vmem>>, vector<16xi32>,
      %parallel_loop3A_98 = arith.addi %parallel_loop3A_97, %mul3A_38 : vector<16xi32>
      tpu.vector_store_idx %arg5[%parallel_loop3A_98], %broadcast_in_dim3A_35 {add = true} : memref<32768xf32, #tpu.memory_space<vmem>>[vector<16xi32>], vector<16xf32>,
    } {sc.loop_unroll_factor = 8 : i64, sc.parallel_access}
    %scan3A_46 = arith.constant 0 : i32
    %scan3A_47 = arith.constant 0 : i32
    %scan3A_48 = arith.constant 128 : i32
    %scan3A_49 = arith.addi %scan3A_47, %scan3A_48 : i32
    %scan3A_50 = arith.constant 1 : i32
    scf.for %scan3A_52 = %scan3A_47 to %scan3A_49 step %scan3A_50  : i32 {
      %mul3A_53 = arith.constant 16 : i32
      %mul3A_54 = arith.muli %scan3A_52, %mul3A_53 : i32
      %get3A = arith.index_cast %mul3A_54 : i32 to index
      %get3A_55 = tpu.vector_load %arg5[%get3A] {strides = array<i32>} : memref<32768xf32, #tpu.memory_space<vmem>>, vector<16xf32>,
      %mul3A_56 = arith.constant 16 : i32
      %mul3A_57 = arith.muli %scan3A_52, %mul3A_56 : i32
      %add3A_58 = arith.constant 2048 : i32
      %add3A_59 = arith.addi %add3A_58, %mul3A_57 : i32
      %get3A_60 = arith.index_cast %add3A_59 : i32 to index
      %get3A_61 = tpu.vector_load %arg5[%get3A_60] {strides = array<i32>} : memref<32768xf32, #tpu.memory_space<vmem>>, vector<16xf32>,
      %add3A_62 = arith.addf %get3A_55, %get3A_61 : vector<16xf32>
      %mul3A_63 = arith.constant 16 : i32
      %mul3A_64 = arith.muli %scan3A_52, %mul3A_63 : i32
      %add3A_65 = arith.constant 4096 : i32
      %add3A_66 = arith.addi %add3A_65, %mul3A_64 : i32
      %get3A_67 = arith.index_cast %add3A_66 : i32 to index
      %get3A_68 = tpu.vector_load %arg5[%get3A_67] {strides = array<i32>} : memref<32768xf32, #tpu.memory_space<vmem>>, vector<16xf32>,
      %add3A_69 = arith.addf %add3A_62, %get3A_68 : vector<16xf32>
      %mul3A_70 = arith.constant 16 : i32
      %mul3A_71 = arith.muli %scan3A_52, %mul3A_70 : i32
      %add3A_72 = arith.constant 6144 : i32
      %add3A_73 = arith.addi %add3A_72, %mul3A_71 : i32
      %get3A_74 = arith.index_cast %add3A_73 : i32 to index
      %get3A_75 = tpu.vector_load %arg5[%get3A_74] {strides = array<i32>} : memref<32768xf32, #tpu.memory_space<vmem>>, vector<16xf32>,
      %add3A_76 = arith.addf %add3A_69, %get3A_75 : vector<16xf32>
      %mul3A_77 = arith.constant 16 : i32
      %mul3A_78 = arith.muli %scan3A_52, %mul3A_77 : i32
      %add3A_79 = arith.constant 8192 : i32
      %add3A_80 = arith.addi %add3A_79, %mul3A_78 : i32
      %get3A_81 = arith.index_cast %add3A_80 : i32 to index
      %get3A_82 = tpu.vector_load %arg5[%get3A_81] {strides = array<i32>} : memref<32768xf32, #tpu.memory_space<vmem>>, vector<16xf32>,
      %add3A_83 = arith.addf %add3A_76, %get3A_82 : vector<16xf32>
      %mul3A_84 = arith.constant 16 : i32
      %mul3A_85 = arith.muli %scan3A_52, %mul3A_84 : i32
      %add3A_86 = arith.constant 10240 : i32
      %add3A_87 = arith.addi %add3A_86, %mul3A_85 : i32
      %get3A_88 = arith.index_cast %add3A_87 : i32 to index
      %get3A_89 = tpu.vector_load %arg5[%get3A_88] {strides = array<i32>} : memref<32768xf32, #tpu.memory_space<vmem>>, vector<16xf32>,
      %add3A_90 = arith.addf %add3A_83, %get3A_89 : vector<16xf32>
      %mul3A_91 = arith.constant 16 : i32
      %mul3A_92 = arith.muli %scan3A_52, %mul3A_91 : i32
      %add3A_93 = arith.constant 12288 : i32
      %add3A_94 = arith.addi %add3A_93, %mul3A_92 : i32
      %get3A_95 = arith.index_cast %add3A_94 : i32 to index
      %get3A_96 = tpu.vector_load %arg5[%get3A_95] {strides = array<i32>} : memref<32768xf32, #tpu.memory_space<vmem>>, vector<16xf32>,
      %add3A_97 = arith.addf %add3A_90, %get3A_96 : vector<16xf32>
      %mul3A_98 = arith.constant 16 : i32
      %mul3A_99 = arith.muli %scan3A_52, %mul3A_98 : i32
      %add3A_100 = arith.constant 14336 : i32
      %add3A_101 = arith.addi %add3A_100, %mul3A_99 : i32
      %get3A_102 = arith.index_cast %add3A_101 : i32 to index
      %get3A_103 = tpu.vector_load %arg5[%get3A_102] {strides = array<i32>} : memref<32768xf32, #tpu.memory_space<vmem>>, vector<16xf32>,
      %add3A_104 = arith.addf %add3A_97, %get3A_103 : vector<16xf32>
      %mul3A_105 = arith.constant 16 : i32
      %mul3A_106 = arith.muli %scan3A_52, %mul3A_105 : i32
      %add3A_107 = arith.constant 16384 : i32
      %add3A_108 = arith.addi %add3A_107, %mul3A_106 : i32
      %get3A_109 = arith.index_cast %add3A_108 : i32 to index
      %get3A_110 = tpu.vector_load %arg5[%get3A_109] {strides = array<i32>} : memref<32768xf32, #tpu.memory_space<vmem>>, vector<16xf32>,
      %add3A_111 = arith.addf %add3A_104, %get3A_110 : vector<16xf32>
      %mul3A_112 = arith.constant 16 : i32
      %mul3A_113 = arith.muli %scan3A_52, %mul3A_112 : i32
      %add3A_114 = arith.constant 18432 : i32
      %add3A_115 = arith.addi %add3A_114, %mul3A_113 : i32
      %get3A_116 = arith.index_cast %add3A_115 : i32 to index
      %get3A_117 = tpu.vector_load %arg5[%get3A_116] {strides = array<i32>} : memref<32768xf32, #tpu.memory_space<vmem>>, vector<16xf32>,
      %add3A_118 = arith.addf %add3A_111, %get3A_117 : vector<16xf32>
      %mul3A_119 = arith.constant 16 : i32
      %mul3A_120 = arith.muli %scan3A_52, %mul3A_119 : i32
      %add3A_121 = arith.constant 20480 : i32
      %add3A_122 = arith.addi %add3A_121, %mul3A_120 : i32
      %get3A_123 = arith.index_cast %add3A_122 : i32 to index
      %get3A_124 = tpu.vector_load %arg5[%get3A_123] {strides = array<i32>} : memref<32768xf32, #tpu.memory_space<vmem>>, vector<16xf32>,
      %add3A_125 = arith.addf %add3A_118, %get3A_124 : vector<16xf32>
      %mul3A_126 = arith.constant 16 : i32
      %mul3A_127 = arith.muli %scan3A_52, %mul3A_126 : i32
      %add3A_128 = arith.constant 22528 : i32
      %add3A_129 = arith.addi %add3A_128, %mul3A_127 : i32
      %get3A_130 = arith.index_cast %add3A_129 : i32 to index
      %get3A_131 = tpu.vector_load %arg5[%get3A_130] {strides = array<i32>} : memref<32768xf32, #tpu.memory_space<vmem>>, vector<16xf32>,
      %add3A_132 = arith.addf %add3A_125, %get3A_131 : vector<16xf32>
      %mul3A_133 = arith.constant 16 : i32
      %mul3A_134 = arith.muli %scan3A_52, %mul3A_133 : i32
      %add3A_135 = arith.constant 24576 : i32
      %add3A_136 = arith.addi %add3A_135, %mul3A_134 : i32
      %get3A_137 = arith.index_cast %add3A_136 : i32 to index
      %get3A_138 = tpu.vector_load %arg5[%get3A_137] {strides = array<i32>} : memref<32768xf32, #tpu.memory_space<vmem>>, vector<16xf32>,
      %add3A_139 = arith.addf %add3A_132, %get3A_138 : vector<16xf32>
      %mul3A_140 = arith.constant 16 : i32
      %mul3A_141 = arith.muli %scan3A_52, %mul3A_140 : i32
      %add3A_142 = arith.constant 26624 : i32
      %add3A_143 = arith.addi %add3A_142, %mul3A_141 : i32
      %get3A_144 = arith.index_cast %add3A_143 : i32 to index
      %get3A_145 = tpu.vector_load %arg5[%get3A_144] {strides = array<i32>} : memref<32768xf32, #tpu.memory_space<vmem>>, vector<16xf32>,
      %add3A_146 = arith.addf %add3A_139, %get3A_145 : vector<16xf32>
      %mul3A_147 = arith.constant 16 : i32
      %mul3A_148 = arith.muli %scan3A_52, %mul3A_147 : i32
      %add3A_149 = arith.constant 28672 : i32
      %add3A_150 = arith.addi %add3A_149, %mul3A_148 : i32
      %get3A_151 = arith.index_cast %add3A_150 : i32 to index
      %get3A_152 = tpu.vector_load %arg5[%get3A_151] {strides = array<i32>} : memref<32768xf32, #tpu.memory_space<vmem>>, vector<16xf32>,
      %add3A_153 = arith.addf %add3A_146, %get3A_152 : vector<16xf32>
      %mul3A_154 = arith.constant 16 : i32
      %mul3A_155 = arith.muli %scan3A_52, %mul3A_154 : i32
      %add3A_156 = arith.constant 30720 : i32
      %add3A_157 = arith.addi %add3A_156, %mul3A_155 : i32
      %get3A_158 = arith.index_cast %add3A_157 : i32 to index
      %get3A_159 = tpu.vector_load %arg5[%get3A_158] {strides = array<i32>} : memref<32768xf32, #tpu.memory_space<vmem>>, vector<16xf32>,
      %add3A_160 = arith.addf %add3A_153, %get3A_159 : vector<16xf32>
      %mul3A_161 = arith.constant 16 : i32
      %mul3A_162 = arith.muli %scan3A_52, %mul3A_161 : i32
      %swap3A = arith.index_cast %mul3A_162 : i32 to index
      %swap3A_163 = tpu.vector_load %arg6[%swap3A] {strides = array<i32>} : memref<2048xf32, #tpu.memory_space<vmem>>, vector<16xf32>,
      tpu.vector_store %arg6[%swap3A], %add3A_160 {strides = array<i32>} : memref<2048xf32, #tpu.memory_space<vmem>>, vector<16xf32>,
    }
    %scan3A_51 = arith.constant 128 : i32
    "tpu.region"() ({
      %run_scoped3A = tpu.sem_alloc : memref<!tpu.dma_semaphore, #tpu.memory_space<semaphore_mem>>
      %dma_start3A = arith.constant 0 : i32
      %dma_start3A_52 = tpu.memref_slice %arg3[%add3A, %dma_start3A] : memref<32x2048xf32, #tpu.memory_space<hbm>> -> memref<1x2048xf32, #tpu.memory_space<hbm>>
      %dma_start3A_53 = tpu.memref_squeeze %dma_start3A_52 : memref<1x2048xf32, #tpu.memory_space<hbm>> -> memref<2048xf32, #tpu.memory_space<hbm>>
      %dma_start3A_54 = arith.constant 0 : i32
      %dma_start3A_55 = tpu.memref_slice %arg3[%add3A, %dma_start3A_54] : memref<32x2048xf32, #tpu.memory_space<hbm>> -> memref<1x2048xf32, #tpu.memory_space<hbm>>
      %dma_start3A_56 = tpu.memref_squeeze %dma_start3A_55 : memref<1x2048xf32, #tpu.memory_space<hbm>> -> memref<2048xf32, #tpu.memory_space<hbm>>
      tpu.enqueue_dma source(%arg6 : memref<2048xf32, #tpu.memory_space<vmem>>) target(%dma_start3A_56 : memref<2048xf32, #tpu.memory_space<hbm>>) target_semaphore(%run_scoped3A : memref<!tpu.dma_semaphore, #tpu.memory_space<semaphore_mem>>)
      %dma_wait3A = arith.constant 0 : i32
      %dma_wait3A_57 = tpu.memref_slice %arg3[%add3A, %dma_wait3A] : memref<32x2048xf32, #tpu.memory_space<hbm>> -> memref<1x2048xf32, #tpu.memory_space<hbm>>
      %dma_wait3A_58 = tpu.memref_squeeze %dma_wait3A_57 : memref<1x2048xf32, #tpu.memory_space<hbm>> -> memref<2048xf32, #tpu.memory_space<hbm>>
      %dma_wait3A_59 = arith.constant 0 : i32
      %dma_wait3A_60 = tpu.memref_slice %arg3[%add3A, %dma_wait3A_59] : memref<32x2048xf32, #tpu.memory_space<hbm>> -> memref<1x2048xf32, #tpu.memory_space<hbm>>
      %dma_wait3A_61 = tpu.memref_squeeze %dma_wait3A_60 : memref<1x2048xf32, #tpu.memory_space<hbm>> -> memref<2048xf32, #tpu.memory_space<hbm>>
      tpu.wait_dma2 semaphore(%run_scoped3A : memref<!tpu.dma_semaphore, #tpu.memory_space<semaphore_mem>>) src(%arg6 : memref<2048xf32, #tpu.memory_space<vmem>>) dst(%dma_wait3A_61 : memref<2048xf32, #tpu.memory_space<hbm>>)
      tpu.yield
    }) : () -> ()
    return
  }
}

module attributes {stable_mosaic.version = 14 : i64} {
  func.func @_tc_seg_body(%arg0: i32, %arg1: memref<2x2x512x512xf32, #tpu.memory_space<vmem>>, %arg2: memref<2x512x512xi32, #tpu.memory_space<vmem>>, %arg3: memref<2x512x512xi32, #tpu.memory_space<vmem>>, %arg4: memref<1x2xf32, #tpu.memory_space<smem>>) attributes {dimension_semantics = [#tpu.dimension_semantics<arbitrary>], iteration_bounds = array<i64: 4>, scalar_prefetch = 0 : i64, scratch_operands = 0 : i64, tpu.core_type = #tpu.core_type<tc>, window_params = [{transform_indices = @transform_0, window_bounds = array<i64: 2, 2, 512, 512>}, {transform_indices = @transform_1, window_bounds = array<i64: 2, 512, 512>}, {transform_indices = @transform_2, window_bounds = array<i64: 2, 512, 512>}, {transform_indices = @transform_3, window_bounds = array<i64: 1, 2>}]} {
    %get3A = arith.constant 0 : index
    %get3A_0 = arith.constant 1 : index
    %get3A_1 = arith.constant 0 : index
    %get3A_2 = arith.constant 0 : index
    %get3A_3 = vector.load %arg1[%get3A, %get3A_0, %get3A_1, %get3A_2] : memref<2x2x512x512xf32, #tpu.memory_space<vmem>>, vector<2x1x512x512xf32>
    %get3A_4 = vector.shape_cast %get3A_3 : vector<2x1x512x512xf32> to vector<2x512x512xf32>
    %get3A_5 = arith.constant 0 : index
    %get3A_6 = arith.constant 0 : index
    %get3A_7 = arith.constant 0 : index
    %get3A_8 = arith.constant 0 : index
    %get3A_9 = vector.load %arg1[%get3A_5, %get3A_6, %get3A_7, %get3A_8] : memref<2x2x512x512xf32, #tpu.memory_space<vmem>>, vector<2x1x512x512xf32>
    %get3A_10 = vector.shape_cast %get3A_9 : vector<2x1x512x512xf32> to vector<2x512x512xf32>
    %sub3A = arith.subf %get3A_4, %get3A_10 : vector<2x512x512xf32>
    %get3A_11 = arith.constant 0 : index
    %get3A_12 = arith.constant 0 : index
    %get3A_13 = arith.constant 0 : index
    %get3A_14 = vector.load %arg2[%get3A_11, %get3A_12, %get3A_13] : memref<2x512x512xi32, #tpu.memory_space<vmem>>, vector<2x512x512xi32>
    %eq3A = arith.constant 1 : i32
    %eq3A_15 = vector.broadcast %eq3A : i32 to vector<2x512x512xi32>
    %eq3A_16 = arith.cmpi eq, %get3A_14, %eq3A_15 : vector<2x512x512xi32>
    %neg3A = arith.constant 0.000000e+00 : f32
    %neg3A_17 = vector.broadcast %neg3A : f32 to vector<2x512x512xf32>
    %neg3A_18 = arith.subf %neg3A_17, %sub3A : vector<2x512x512xf32>
    %select_n3A = arith.select %eq3A_16, %neg3A_18, %sub3A : vector<2x512x512xi1>, vector<2x512x512xf32>
    %max3A = arith.constant 0.000000e+00 : f32
    %max3A_19 = vector.broadcast %max3A : f32 to vector<2x512x512xf32>
    %max3A_20 = arith.maximumf %select_n3A, %max3A_19 : vector<2x512x512xf32>
    %abs3A = math.absf %select_n3A : vector<2x512x512xf32>
    %neg3A_21 = arith.constant 0.000000e+00 : f32
    %neg3A_22 = vector.broadcast %neg3A_21 : f32 to vector<2x512x512xf32>
    %neg3A_23 = arith.subf %neg3A_22, %abs3A : vector<2x512x512xf32>
    %exp3A = math.exp %neg3A_23 : vector<2x512x512xf32>
    %log1p3A = math.log1p %exp3A : vector<2x512x512xf32>
    %add3A = arith.addf %max3A_20, %log1p3A : vector<2x512x512xf32>
    %add3A_24 = arith.constant 8.000000e+00 : f32
    %add3A_25 = vector.broadcast %add3A_24 : f32 to vector<2x512x512xf32>
    %add3A_26 = arith.addf %select_n3A, %add3A_25 : vector<2x512x512xf32>
    %mul3A = arith.constant 6.400000e+01 : f32
    %mul3A_27 = vector.broadcast %mul3A : f32 to vector<2x512x512xf32>
    %mul3A_28 = arith.mulf %add3A_26, %mul3A_27 : vector<2x512x512xf32>
    %convert_element_type3A = arith.fptosi %mul3A_28 : vector<2x512x512xf32> to vector<2x512x512xi32>
    %min3A = arith.constant 1023 : i32
    %min3A_29 = vector.broadcast %min3A : i32 to vector<2x512x512xi32>
    %min3A_30 = arith.minsi %convert_element_type3A, %min3A_29 : vector<2x512x512xi32>
    %max3A_31 = arith.constant 0 : i32
    %max3A_32 = vector.broadcast %max3A_31 : i32 to vector<2x512x512xi32>
    %max3A_33 = arith.maxsi %min3A_30, %max3A_32 : vector<2x512x512xi32>
    %mul3A_34 = arith.constant 1024 : i32
    %mul3A_35 = vector.broadcast %mul3A_34 : i32 to vector<2x512x512xi32>
    %mul3A_36 = arith.muli %mul3A_35, %get3A_14 : vector<2x512x512xi32>
    %add3A_37 = arith.addi %max3A_33, %mul3A_36 : vector<2x512x512xi32>
    %swap3A = arith.constant 0 : index
    %swap3A_38 = arith.constant 0 : index
    %swap3A_39 = arith.constant 0 : index
    %swap3A_40 = vector.load %arg3[%swap3A, %swap3A_38, %swap3A_39] : memref<2x512x512xi32, #tpu.memory_space<vmem>>, vector<2x512x512xi32>
    tpu.vector_store %arg3[%swap3A, %swap3A_38, %swap3A_39], %add3A_37 {strides = array<i32>} : memref<2x512x512xi32, #tpu.memory_space<vmem>>, vector<2x512x512xi32>,
    %reduce_sum3A = vector.shape_cast %add3A : vector<2x512x512xf32> to vector<1x2x512x512xf32>
    %reduce_sum3A_41 = arith.constant dense<0.000000e+00> : vector<1xf32>
    %reduce_sum3A_42 = vector.multi_reduction <add>, %reduce_sum3A, %reduce_sum3A_41 [1, 2, 3] : vector<1x2x512x512xf32> to vector<1xf32>
    %reduce_sum3A_43 = vector.shape_cast %reduce_sum3A_42 : vector<1xf32> to vector<1x1x1x1xf32>
    %reduce_sum3A_44 = vector.extract %reduce_sum3A_43[0, 0, 0, 0] : f32 from vector<1x1x1x1xf32>
    %reduce_sum3A_45 = vector.shape_cast %select_n3A : vector<2x512x512xf32> to vector<1x2x512x512xf32>
    %reduce_sum3A_46 = arith.constant dense<0.000000e+00> : vector<1xf32>
    %reduce_sum3A_47 = vector.multi_reduction <add>, %reduce_sum3A_45, %reduce_sum3A_46 [1, 2, 3] : vector<1x2x512x512xf32> to vector<1xf32>
    %reduce_sum3A_48 = vector.shape_cast %reduce_sum3A_47 : vector<1xf32> to vector<1x1x1x1xf32>
    %reduce_sum3A_49 = vector.extract %reduce_sum3A_48[0, 0, 0, 0] : f32 from vector<1x1x1x1xf32>
    %eq3A_50 = arith.constant 0 : i32
    %eq3A_51 = arith.cmpi eq, %arg0, %eq3A_50 : i32
    %convert_element_type3A_52 = arith.extui %eq3A_51 : i1 to i32
    %cond3A = arith.constant 0 : i32
    %cond3A_53 = arith.cmpi ne, %convert_element_type3A_52, %cond3A : i32
    scf.if %cond3A_53 {
      %swap3A_58 = arith.constant 0 : index
      %swap3A_59 = arith.constant 0 : index
      %swap3A_60 = memref.load %arg4[%swap3A_58, %swap3A_59] : memref<1x2xf32, #tpu.memory_space<smem>>
      memref.store %reduce_sum3A_44, %arg4[%swap3A_58, %swap3A_59] : memref<1x2xf32, #tpu.memory_space<smem>>
      %swap3A_61 = arith.constant 0 : index
      %swap3A_62 = arith.constant 1 : index
      %swap3A_63 = memref.load %arg4[%swap3A_61, %swap3A_62] : memref<1x2xf32, #tpu.memory_space<smem>>
      memref.store %reduce_sum3A_49, %arg4[%swap3A_61, %swap3A_62] : memref<1x2xf32, #tpu.memory_space<smem>>
    } else {
    }
    %ne3A = arith.constant 0 : i32
    %ne3A_54 = arith.cmpi ne, %arg0, %ne3A : i32
    %convert_element_type3A_55 = arith.extui %ne3A_54 : i1 to i32
    %cond3A_56 = arith.constant 0 : i32
    %cond3A_57 = arith.cmpi ne, %convert_element_type3A_55, %cond3A_56 : i32
    scf.if %cond3A_57 {
      %get3A_58 = arith.constant 0 : index
      %get3A_59 = arith.constant 0 : index
      %get3A_60 = memref.load %arg4[%get3A_58, %get3A_59] : memref<1x2xf32, #tpu.memory_space<smem>>
      %add3A_61 = arith.addf %get3A_60, %reduce_sum3A_44 : f32
      %swap3A_62 = arith.constant 0 : index
      %swap3A_63 = arith.constant 0 : index
      %swap3A_64 = memref.load %arg4[%swap3A_62, %swap3A_63] : memref<1x2xf32, #tpu.memory_space<smem>>
      memref.store %add3A_61, %arg4[%swap3A_62, %swap3A_63] : memref<1x2xf32, #tpu.memory_space<smem>>
      %get3A_65 = arith.constant 0 : index
      %get3A_66 = arith.constant 1 : index
      %get3A_67 = memref.load %arg4[%get3A_65, %get3A_66] : memref<1x2xf32, #tpu.memory_space<smem>>
      %add3A_68 = arith.addf %get3A_67, %reduce_sum3A_49 : f32
      %swap3A_69 = arith.constant 0 : index
      %swap3A_70 = arith.constant 1 : index
      %swap3A_71 = memref.load %arg4[%swap3A_69, %swap3A_70] : memref<1x2xf32, #tpu.memory_space<smem>>
      memref.store %add3A_68, %arg4[%swap3A_69, %swap3A_70] : memref<1x2xf32, #tpu.memory_space<smem>>
    } else {
    }
    return
  }
  func.func @transform_0(%arg0: i32) -> (i32, i32, i32, i32) {
    %c0_i32 = arith.constant 0 : i32
    %c0_i32_0 = arith.constant 0 : i32
    %c0_i32_1 = arith.constant 0 : i32
    %c0_i32_2 = arith.constant 0 : i32
    return %arg0, %c0_i32, %c0_i32_0, %c0_i32_1 : i32, i32, i32, i32
  }
  func.func @transform_1(%arg0: i32) -> (i32, i32, i32) {
    %c0_i32 = arith.constant 0 : i32
    %c0_i32_0 = arith.constant 0 : i32
    %c0_i32_1 = arith.constant 0 : i32
    return %arg0, %c0_i32, %c0_i32_0 : i32, i32, i32
  }
  func.func @transform_2(%arg0: i32) -> (i32, i32, i32) {
    %c0_i32 = arith.constant 0 : i32
    %c0_i32_0 = arith.constant 0 : i32
    %c0_i32_1 = arith.constant 0 : i32
    return %arg0, %c0_i32, %c0_i32_0 : i32, i32, i32
  }
  func.func @transform_3(%arg0: i32) -> (i32, i32) {
    %c0_i32 = arith.constant 0 : i32
    %c0_i32_0 = arith.constant 0 : i32
    %c0_i32_1 = arith.constant 0 : i32
    return %c0_i32, %c0_i32_0 : i32, i32
  }
}

module attributes {stable_mosaic.version = 14 : i64} {
  func.func @_tc2_body(%arg0: memref<32x2048xf32, #tpu.memory_space<vmem>>, %arg1: memref<1x2xf32, #tpu.memory_space<smem>>, %arg2: memref<1x1xf32, #tpu.memory_space<smem>>, %arg3: memref<8x8xf32, #tpu.memory_space<vmem>>, %arg4: memref<8x1xi32, #tpu.memory_space<vmem>>, %arg5: memref<1x1xf32, #tpu.memory_space<smem>>) attributes {dimension_semantics = [], scalar_prefetch = 0 : i64, scratch_operands = 0 : i64, tpu.core_type = #tpu.core_type<tc>} {
    %get3A = arith.constant 0 : index
    %get3A_0 = arith.constant 0 : index
    %get3A_1 = vector.load %arg0[%get3A, %get3A_0] : memref<32x2048xf32, #tpu.memory_space<vmem>>, vector<32x2048xf32>
    %iota3A = tpu.iota {dimensions = array<i32: 1>} : vector<8x32xi32>
    %iota3A_2 = tpu.iota {dimensions = array<i32: 0>} : vector<8x32xi32>
    %jit3A = arith.constant 4 : i32
    %div3A = vector.broadcast %jit3A : i32 to vector<8x32xi32>
    %div3A_3 = arith.divsi %iota3A, %div3A : vector<8x32xi32>
    %sign3A = arith.constant 0 : i32
    %sign3A_4 = vector.broadcast %sign3A : i32 to vector<8x32xi32>
    %sign3A_5 = arith.cmpi sgt, %iota3A, %sign3A_4 : vector<8x32xi32>
    %sign3A_6 = arith.extui %sign3A_5 : vector<8x32xi1> to vector<8x32xi32>
    %sign3A_7 = arith.constant 0 : i32
    %sign3A_8 = vector.broadcast %sign3A_7 : i32 to vector<8x32xi32>
    %sign3A_9 = arith.cmpi slt, %iota3A, %sign3A_8 : vector<8x32xi32>
    %sign3A_10 = arith.extui %sign3A_9 : vector<8x32xi1> to vector<8x32xi32>
    %sign3A_11 = arith.subi %sign3A_6, %sign3A_10 : vector<8x32xi32>
    %sign3A_12 = arith.constant 0 : i32
    %sign3A_13 = arith.cmpi sgt, %jit3A, %sign3A_12 : i32
    %sign3A_14 = arith.extui %sign3A_13 : i1 to i32
    %sign3A_15 = arith.constant 0 : i32
    %sign3A_16 = arith.cmpi slt, %jit3A, %sign3A_15 : i32
    %sign3A_17 = arith.extui %sign3A_16 : i1 to i32
    %sign3A_18 = arith.subi %sign3A_14, %sign3A_17 : i32
    %ne3A = vector.broadcast %sign3A_18 : i32 to vector<8x32xi32>
    %ne3A_19 = arith.cmpi ne, %sign3A_11, %ne3A : vector<8x32xi32>
    %rem3A = vector.broadcast %jit3A : i32 to vector<8x32xi32>
    %rem3A_20 = arith.remsi %iota3A, %rem3A : vector<8x32xi32>
    %ne3A_21 = arith.constant 0 : i32
    %ne3A_22 = vector.broadcast %ne3A_21 : i32 to vector<8x32xi32>
    %ne3A_23 = arith.cmpi ne, %rem3A_20, %ne3A_22 : vector<8x32xi32>
    %and3A = arith.andi %ne3A_19, %ne3A_23 : vector<8x32xi1>
    %sub3A = arith.constant 1 : i32
    %sub3A_24 = vector.broadcast %sub3A : i32 to vector<8x32xi32>
    %sub3A_25 = arith.subi %div3A_3, %sub3A_24 : vector<8x32xi32>
    %select_n3A = arith.select %and3A, %sub3A_25, %div3A_3 : vector<8x32xi1>, vector<8x32xi32>
    %eq3A = arith.cmpi eq, %select_n3A, %iota3A_2 : vector<8x32xi32>
    %convert_element_type3A = arith.extui %eq3A : vector<8x32xi1> to vector<8x32xi32>
    %convert_element_type3A_26 = arith.sitofp %convert_element_type3A : vector<8x32xi32> to vector<8x32xf32>
    %dot_general3A = arith.constant dense<0.000000e+00> : vector<8x2048xf32>
    %dot_general3A_27 = tpu.matmul %convert_element_type3A_26, %get3A_1, %dot_general3A {dimension_numbers = #tpu.dot_dimension_numbers<[1], [0], [0], [1], [0, 0, 1, 1], [], []>, precision = #tpu.contract_precision<fp32>, transpose_lhs_hint = false} : vector<8x32xf32>, vector<32x2048xf32>, vector<8x2048xf32> -> vector<8x2048xf32>
    %slice3A = vector.extract_strided_slice %dot_general3A_27 {offsets = [0, 1024], sizes = [8, 1024], strides = [1, 1]} : vector<8x2048xf32> to vector<8x1024xf32>
    %slice3A_28 = vector.extract_strided_slice %dot_general3A_27 {offsets = [0, 0], sizes = [8, 1024], strides = [1, 1]} : vector<8x2048xf32> to vector<8x1024xf32>
    %add3A = arith.addf %slice3A_28, %slice3A : vector<8x1024xf32>
    %slice3A_29 = vector.extract_strided_slice %add3A {offsets = [0, 1], sizes = [8, 1023], strides = [1, 1]} : vector<8x1024xf32> to vector<8x1023xf32>
    %broadcast_in_dim3A = arith.constant 0.000000e+00 : f32
    %broadcast_in_dim3A_30 = vector.broadcast %broadcast_in_dim3A : f32 to vector<8x1xf32>
    %concatenate3A = tpu.concatenate %slice3A_29, %broadcast_in_dim3A_30 in 1 : vector<8x1023xf32>, vector<8x1xf32> -> vector<8x1024xf32>
    %add3A_31 = arith.addf %add3A, %concatenate3A : vector<8x1024xf32>
    %slice3A_32 = vector.extract_strided_slice %add3A_31 {offsets = [0, 2], sizes = [8, 1022], strides = [1, 1]} : vector<8x1024xf32> to vector<8x1022xf32>
    %broadcast_in_dim3A_33 = arith.constant 0.000000e+00 : f32
    %broadcast_in_dim3A_34 = vector.broadcast %broadcast_in_dim3A_33 : f32 to vector<8x2xf32>
    %concatenate3A_35 = tpu.concatenate %slice3A_32, %broadcast_in_dim3A_34 in 1 : vector<8x1022xf32>, vector<8x2xf32> -> vector<8x1024xf32>
    %add3A_36 = arith.addf %add3A_31, %concatenate3A_35 : vector<8x1024xf32>
    %slice3A_37 = vector.extract_strided_slice %add3A_36 {offsets = [0, 4], sizes = [8, 1020], strides = [1, 1]} : vector<8x1024xf32> to vector<8x1020xf32>
    %broadcast_in_dim3A_38 = arith.constant 0.000000e+00 : f32
    %broadcast_in_dim3A_39 = vector.broadcast %broadcast_in_dim3A_38 : f32 to vector<8x4xf32>
    %concatenate3A_40 = tpu.concatenate %slice3A_37, %broadcast_in_dim3A_39 in 1 : vector<8x1020xf32>, vector<8x4xf32> -> vector<8x1024xf32>
    %add3A_41 = arith.addf %add3A_36, %concatenate3A_40 : vector<8x1024xf32>
    %slice3A_42 = vector.extract_strided_slice %add3A_41 {offsets = [0, 8], sizes = [8, 1016], strides = [1, 1]} : vector<8x1024xf32> to vector<8x1016xf32>
    %broadcast_in_dim3A_43 = arith.constant 0.000000e+00 : f32
    %broadcast_in_dim3A_44 = vector.broadcast %broadcast_in_dim3A_43 : f32 to vector<8x8xf32>
    %concatenate3A_45 = tpu.concatenate %slice3A_42, %broadcast_in_dim3A_44 in 1 : vector<8x1016xf32>, vector<8x8xf32> -> vector<8x1024xf32>
    %add3A_46 = arith.addf %add3A_41, %concatenate3A_45 : vector<8x1024xf32>
    %slice3A_47 = vector.extract_strided_slice %add3A_46 {offsets = [0, 16], sizes = [8, 1008], strides = [1, 1]} : vector<8x1024xf32> to vector<8x1008xf32>
    %broadcast_in_dim3A_48 = arith.constant 0.000000e+00 : f32
    %broadcast_in_dim3A_49 = vector.broadcast %broadcast_in_dim3A_48 : f32 to vector<8x16xf32>
    %concatenate3A_50 = tpu.concatenate %slice3A_47, %broadcast_in_dim3A_49 in 1 : vector<8x1008xf32>, vector<8x16xf32> -> vector<8x1024xf32>
    %add3A_51 = arith.addf %add3A_46, %concatenate3A_50 : vector<8x1024xf32>
    %slice3A_52 = vector.extract_strided_slice %add3A_51 {offsets = [0, 32], sizes = [8, 992], strides = [1, 1]} : vector<8x1024xf32> to vector<8x992xf32>
    %broadcast_in_dim3A_53 = arith.constant 0.000000e+00 : f32
    %broadcast_in_dim3A_54 = vector.broadcast %broadcast_in_dim3A_53 : f32 to vector<8x32xf32>
    %concatenate3A_55 = tpu.concatenate %slice3A_52, %broadcast_in_dim3A_54 in 1 : vector<8x992xf32>, vector<8x32xf32> -> vector<8x1024xf32>
    %add3A_56 = arith.addf %add3A_51, %concatenate3A_55 : vector<8x1024xf32>
    %slice3A_57 = vector.extract_strided_slice %add3A_56 {offsets = [0, 64], sizes = [8, 960], strides = [1, 1]} : vector<8x1024xf32> to vector<8x960xf32>
    %broadcast_in_dim3A_58 = arith.constant 0.000000e+00 : f32
    %broadcast_in_dim3A_59 = vector.broadcast %broadcast_in_dim3A_58 : f32 to vector<8x64xf32>
    %concatenate3A_60 = tpu.concatenate %slice3A_57, %broadcast_in_dim3A_59 in 1 : vector<8x960xf32>, vector<8x64xf32> -> vector<8x1024xf32>
    %add3A_61 = arith.addf %add3A_56, %concatenate3A_60 : vector<8x1024xf32>
    %slice3A_62 = vector.extract_strided_slice %add3A_61 {offsets = [0, 128], sizes = [8, 896], strides = [1, 1]} : vector<8x1024xf32> to vector<8x896xf32>
    %broadcast_in_dim3A_63 = arith.constant 0.000000e+00 : f32
    %broadcast_in_dim3A_64 = vector.broadcast %broadcast_in_dim3A_63 : f32 to vector<8x128xf32>
    %concatenate3A_65 = tpu.concatenate %slice3A_62, %broadcast_in_dim3A_64 in 1 : vector<8x896xf32>, vector<8x128xf32> -> vector<8x1024xf32>
    %add3A_66 = arith.addf %add3A_61, %concatenate3A_65 : vector<8x1024xf32>
    %slice3A_67 = vector.extract_strided_slice %add3A_66 {offsets = [0, 256], sizes = [8, 768], strides = [1, 1]} : vector<8x1024xf32> to vector<8x768xf32>
    %broadcast_in_dim3A_68 = arith.constant 0.000000e+00 : f32
    %broadcast_in_dim3A_69 = vector.broadcast %broadcast_in_dim3A_68 : f32 to vector<8x256xf32>
    %concatenate3A_70 = tpu.concatenate %slice3A_67, %broadcast_in_dim3A_69 in 1 : vector<8x768xf32>, vector<8x256xf32> -> vector<8x1024xf32>
    %add3A_71 = arith.addf %add3A_66, %concatenate3A_70 : vector<8x1024xf32>
    %slice3A_72 = vector.extract_strided_slice %add3A_71 {offsets = [0, 512], sizes = [8, 512], strides = [1, 1]} : vector<8x1024xf32> to vector<8x512xf32>
    %broadcast_in_dim3A_73 = arith.constant 0.000000e+00 : f32
    %broadcast_in_dim3A_74 = vector.broadcast %broadcast_in_dim3A_73 : f32 to vector<8x512xf32>
    %concatenate3A_75 = tpu.concatenate %slice3A_72, %broadcast_in_dim3A_74 in 1 : vector<8x512xf32>, vector<8x512xf32> -> vector<8x1024xf32>
    %add3A_76 = arith.addf %add3A_71, %concatenate3A_75 : vector<8x1024xf32>
    %slice3A_77 = vector.extract_strided_slice %slice3A {offsets = [0, 1], sizes = [8, 1023], strides = [1, 1]} : vector<8x1024xf32> to vector<8x1023xf32>
    %broadcast_in_dim3A_78 = arith.constant 0.000000e+00 : f32
    %broadcast_in_dim3A_79 = vector.broadcast %broadcast_in_dim3A_78 : f32 to vector<8x1xf32>
    %concatenate3A_80 = tpu.concatenate %slice3A_77, %broadcast_in_dim3A_79 in 1 : vector<8x1023xf32>, vector<8x1xf32> -> vector<8x1024xf32>
    %add3A_81 = arith.addf %slice3A, %concatenate3A_80 : vector<8x1024xf32>
    %slice3A_82 = vector.extract_strided_slice %add3A_81 {offsets = [0, 2], sizes = [8, 1022], strides = [1, 1]} : vector<8x1024xf32> to vector<8x1022xf32>
    %broadcast_in_dim3A_83 = arith.constant 0.000000e+00 : f32
    %broadcast_in_dim3A_84 = vector.broadcast %broadcast_in_dim3A_83 : f32 to vector<8x2xf32>
    %concatenate3A_85 = tpu.concatenate %slice3A_82, %broadcast_in_dim3A_84 in 1 : vector<8x1022xf32>, vector<8x2xf32> -> vector<8x1024xf32>
    %add3A_86 = arith.addf %add3A_81, %concatenate3A_85 : vector<8x1024xf32>
    %slice3A_87 = vector.extract_strided_slice %add3A_86 {offsets = [0, 4], sizes = [8, 1020], strides = [1, 1]} : vector<8x1024xf32> to vector<8x1020xf32>
    %broadcast_in_dim3A_88 = arith.constant 0.000000e+00 : f32
    %broadcast_in_dim3A_89 = vector.broadcast %broadcast_in_dim3A_88 : f32 to vector<8x4xf32>
    %concatenate3A_90 = tpu.concatenate %slice3A_87, %broadcast_in_dim3A_89 in 1 : vector<8x1020xf32>, vector<8x4xf32> -> vector<8x1024xf32>
    %add3A_91 = arith.addf %add3A_86, %concatenate3A_90 : vector<8x1024xf32>
    %slice3A_92 = vector.extract_strided_slice %add3A_91 {offsets = [0, 8], sizes = [8, 1016], strides = [1, 1]} : vector<8x1024xf32> to vector<8x1016xf32>
    %broadcast_in_dim3A_93 = arith.constant 0.000000e+00 : f32
    %broadcast_in_dim3A_94 = vector.broadcast %broadcast_in_dim3A_93 : f32 to vector<8x8xf32>
    %concatenate3A_95 = tpu.concatenate %slice3A_92, %broadcast_in_dim3A_94 in 1 : vector<8x1016xf32>, vector<8x8xf32> -> vector<8x1024xf32>
    %add3A_96 = arith.addf %add3A_91, %concatenate3A_95 : vector<8x1024xf32>
    %slice3A_97 = vector.extract_strided_slice %add3A_96 {offsets = [0, 16], sizes = [8, 1008], strides = [1, 1]} : vector<8x1024xf32> to vector<8x1008xf32>
    %broadcast_in_dim3A_98 = arith.constant 0.000000e+00 : f32
    %broadcast_in_dim3A_99 = vector.broadcast %broadcast_in_dim3A_98 : f32 to vector<8x16xf32>
    %concatenate3A_100 = tpu.concatenate %slice3A_97, %broadcast_in_dim3A_99 in 1 : vector<8x1008xf32>, vector<8x16xf32> -> vector<8x1024xf32>
    %add3A_101 = arith.addf %add3A_96, %concatenate3A_100 : vector<8x1024xf32>
    %slice3A_102 = vector.extract_strided_slice %add3A_101 {offsets = [0, 32], sizes = [8, 992], strides = [1, 1]} : vector<8x1024xf32> to vector<8x992xf32>
    %broadcast_in_dim3A_103 = arith.constant 0.000000e+00 : f32
    %broadcast_in_dim3A_104 = vector.broadcast %broadcast_in_dim3A_103 : f32 to vector<8x32xf32>
    %concatenate3A_105 = tpu.concatenate %slice3A_102, %broadcast_in_dim3A_104 in 1 : vector<8x992xf32>, vector<8x32xf32> -> vector<8x1024xf32>
    %add3A_106 = arith.addf %add3A_101, %concatenate3A_105 : vector<8x1024xf32>
    %slice3A_107 = vector.extract_strided_slice %add3A_106 {offsets = [0, 64], sizes = [8, 960], strides = [1, 1]} : vector<8x1024xf32> to vector<8x960xf32>
    %broadcast_in_dim3A_108 = arith.constant 0.000000e+00 : f32
    %broadcast_in_dim3A_109 = vector.broadcast %broadcast_in_dim3A_108 : f32 to vector<8x64xf32>
    %concatenate3A_110 = tpu.concatenate %slice3A_107, %broadcast_in_dim3A_109 in 1 : vector<8x960xf32>, vector<8x64xf32> -> vector<8x1024xf32>
    %add3A_111 = arith.addf %add3A_106, %concatenate3A_110 : vector<8x1024xf32>
    %slice3A_112 = vector.extract_strided_slice %add3A_111 {offsets = [0, 128], sizes = [8, 896], strides = [1, 1]} : vector<8x1024xf32> to vector<8x896xf32>
    %broadcast_in_dim3A_113 = arith.constant 0.000000e+00 : f32
    %broadcast_in_dim3A_114 = vector.broadcast %broadcast_in_dim3A_113 : f32 to vector<8x128xf32>
    %concatenate3A_115 = tpu.concatenate %slice3A_112, %broadcast_in_dim3A_114 in 1 : vector<8x896xf32>, vector<8x128xf32> -> vector<8x1024xf32>
    %add3A_116 = arith.addf %add3A_111, %concatenate3A_115 : vector<8x1024xf32>
    %slice3A_117 = vector.extract_strided_slice %add3A_116 {offsets = [0, 256], sizes = [8, 768], strides = [1, 1]} : vector<8x1024xf32> to vector<8x768xf32>
    %broadcast_in_dim3A_118 = arith.constant 0.000000e+00 : f32
    %broadcast_in_dim3A_119 = vector.broadcast %broadcast_in_dim3A_118 : f32 to vector<8x256xf32>
    %concatenate3A_120 = tpu.concatenate %slice3A_117, %broadcast_in_dim3A_119 in 1 : vector<8x768xf32>, vector<8x256xf32> -> vector<8x1024xf32>
    %add3A_121 = arith.addf %add3A_116, %concatenate3A_120 : vector<8x1024xf32>
    %slice3A_122 = vector.extract_strided_slice %add3A_121 {offsets = [0, 512], sizes = [8, 512], strides = [1, 1]} : vector<8x1024xf32> to vector<8x512xf32>
    %broadcast_in_dim3A_123 = arith.constant 0.000000e+00 : f32
    %broadcast_in_dim3A_124 = vector.broadcast %broadcast_in_dim3A_123 : f32 to vector<8x512xf32>
    %concatenate3A_125 = tpu.concatenate %slice3A_122, %broadcast_in_dim3A_124 in 1 : vector<8x512xf32>, vector<8x512xf32> -> vector<8x1024xf32>
    %add3A_126 = arith.addf %add3A_121, %concatenate3A_125 : vector<8x1024xf32>
    %slice3A_127 = vector.extract_strided_slice %add3A_126 {offsets = [0, 0], sizes = [8, 1], strides = [1, 1]} : vector<8x1024xf32> to vector<8x1xf32>
    %slice3A_128 = vector.extract_strided_slice %add3A_76 {offsets = [0, 0], sizes = [8, 1], strides = [1, 1]} : vector<8x1024xf32> to vector<8x1xf32>
    %iota3A_129 = tpu.iota {dimensions = array<i32: 1>} : vector<1x1024xi32>
    %convert_element_type3A_130 = arith.sitofp %iota3A_129 : vector<1x1024xi32> to vector<1x1024xf32>
    %add3A_131 = arith.constant 5.000000e-01 : f32
    %add3A_132 = vector.broadcast %add3A_131 : f32 to vector<1x1024xf32>
    %add3A_133 = arith.addf %convert_element_type3A_130, %add3A_132 : vector<1x1024xf32>
    %div3A_134 = arith.constant 6.400000e+01 : f32
    %div3A_135 = vector.broadcast %div3A_134 : f32 to vector<1x1024xf32>
    %div3A_136 = arith.divf %add3A_133, %div3A_135 : vector<1x1024xf32>
    %sub3A_137 = arith.constant 8.000000e+00 : f32
    %sub3A_138 = vector.broadcast %sub3A_137 : f32 to vector<1x1024xf32>
    %sub3A_139 = arith.subf %div3A_136, %sub3A_138 : vector<1x1024xf32>
    %neg3A = arith.constant 0.000000e+00 : f32
    %neg3A_140 = vector.broadcast %neg3A : f32 to vector<1x1024xf32>
    %neg3A_141 = arith.subf %neg3A_140, %sub3A_139 : vector<1x1024xf32>
    %exp3A = math.exp %neg3A_141 : vector<1x1024xf32>
    %add3A_142 = arith.constant 1.000000e+00 : f32
    %add3A_143 = vector.broadcast %add3A_142 : f32 to vector<1x1024xf32>
    %add3A_144 = arith.addf %add3A_143, %exp3A : vector<1x1024xf32>
    %div3A_145 = arith.constant 1.000000e+00 : f32
    %div3A_146 = vector.broadcast %div3A_145 : f32 to vector<1x1024xf32>
    %div3A_147 = arith.divf %div3A_146, %add3A_144 : vector<1x1024xf32>
    %sub3A_148 = arith.constant 1.562500e-02 : f32
    %sub3A_149 = vector.broadcast %sub3A_148 : f32 to vector<1x1024xf32>
    %sub3A_150 = arith.subf %sub3A_139, %sub3A_149 : vector<1x1024xf32>
    %neg3A_151 = arith.constant 0.000000e+00 : f32
    %neg3A_152 = vector.broadcast %neg3A_151 : f32 to vector<1x1024xf32>
    %neg3A_153 = arith.subf %neg3A_152, %sub3A_150 : vector<1x1024xf32>
    %exp3A_154 = math.exp %neg3A_153 : vector<1x1024xf32>
    %add3A_155 = arith.constant 1.000000e+00 : f32
    %add3A_156 = vector.broadcast %add3A_155 : f32 to vector<1x1024xf32>
    %add3A_157 = arith.addf %add3A_156, %exp3A_154 : vector<1x1024xf32>
    %div3A_158 = arith.constant 1.000000e+00 : f32
    %div3A_159 = vector.broadcast %div3A_158 : f32 to vector<1x1024xf32>
    %div3A_160 = arith.divf %div3A_159, %add3A_157 : vector<1x1024xf32>
    %eq3A_161 = arith.constant 0 : i32
    %eq3A_162 = vector.broadcast %eq3A_161 : i32 to vector<1x1024xi32>
    %eq3A_163 = arith.cmpi eq, %iota3A_129, %eq3A_162 : vector<1x1024xi32>
    %jit3A_164 = arith.constant 0.000000e+00 : f32
    %broadcast_in_dim3A_165 = vector.broadcast %jit3A_164 : f32 to vector<1x1024xf32>
    %select_n3A_166 = arith.select %eq3A_163, %broadcast_in_dim3A_165, %div3A_160 : vector<1x1024xi1>, vector<1x1024xf32>
    %sub3A_167 = arith.subf %div3A_147, %select_n3A_166 : vector<1x1024xf32>
    %add3A_168 = vector.broadcast %slice3A_127 : vector<8x1xf32> to vector<8x1024xf32>
    %add3A_169 = arith.addf %add3A_168, %add3A_76 : vector<8x1024xf32>
    %sub3A_170 = arith.subf %add3A_169, %add3A_126 : vector<8x1024xf32>
    %max3A = arith.constant 1.000000e+00 : f32
    %max3A_171 = vector.broadcast %max3A : f32 to vector<8x1024xf32>
    %max3A_172 = arith.maximumf %sub3A_170, %max3A_171 : vector<8x1024xf32>
    %sub3A_173 = vector.broadcast %slice3A_127 : vector<8x1xf32> to vector<8x1024xf32>
    %sub3A_174 = arith.subf %sub3A_173, %add3A_126 : vector<8x1024xf32>
    %div3A_175 = arith.divf %sub3A_174, %max3A_172 : vector<8x1024xf32>
    %sub3A_176 = arith.constant 1.000000e+00 : f32
    %sub3A_177 = vector.broadcast %sub3A_176 : f32 to vector<8x1024xf32>
    %sub3A_178 = arith.subf %sub3A_177, %div3A_175 : vector<8x1024xf32>
    %gt3A = arith.constant 0.000000e+00 : f32
    %gt3A_179 = vector.broadcast %gt3A : f32 to vector<8x1024xf32>
    %gt3A_180 = arith.cmpf ogt, %add3A_76, %gt3A_179 : vector<8x1024xf32>
    %jit3A_181 = arith.constant 0.000000e+00 : f32
    %broadcast_in_dim3A_182 = vector.broadcast %jit3A_181 : f32 to vector<8x1024xf32>
    %select_n3A_183 = arith.select %gt3A_180, %sub3A_178, %broadcast_in_dim3A_182 : vector<8x1024xi1>, vector<8x1024xf32>
    %mul3A = vector.broadcast %sub3A_167 : vector<1x1024xf32> to vector<8x1024xf32>
    %mul3A_184 = arith.mulf %select_n3A_183, %mul3A : vector<8x1024xf32>
    %reduce_sum3A = arith.constant dense<0.000000e+00> : vector<8xf32>
    %reduce_sum3A_185 = vector.multi_reduction <add>, %mul3A_184, %reduce_sum3A [1] : vector<8x1024xf32> to vector<8xf32>
    %broadcast_in_dim3A_186 = vector.shape_cast %reduce_sum3A_185 : vector<8xf32> to vector<8x1xf32>
    %sub3A_187 = arith.subf %add3A_76, %add3A_126 : vector<8x1024xf32>
    %sub3A_188 = arith.subf %slice3A_128, %slice3A_127 : vector<8x1xf32>
    %add3A_189 = vector.broadcast %sub3A_188 : vector<8x1xf32> to vector<8x1024xf32>
    %add3A_190 = arith.addf %add3A_189, %add3A_76 : vector<8x1024xf32>
    %sub3A_191 = arith.subf %add3A_190, %sub3A_187 : vector<8x1024xf32>
    %max3A_192 = arith.constant 1.000000e+00 : f32
    %max3A_193 = vector.broadcast %max3A_192 : f32 to vector<8x1024xf32>
    %max3A_194 = arith.maximumf %sub3A_191, %max3A_193 : vector<8x1024xf32>
    %sub3A_195 = vector.broadcast %sub3A_188 : vector<8x1xf32> to vector<8x1024xf32>
    %sub3A_196 = arith.subf %sub3A_195, %sub3A_187 : vector<8x1024xf32>
    %div3A_197 = arith.divf %sub3A_196, %max3A_194 : vector<8x1024xf32>
    %sub3A_198 = arith.constant 1.000000e+00 : f32
    %sub3A_199 = vector.broadcast %sub3A_198 : f32 to vector<8x1024xf32>
    %sub3A_200 = arith.subf %sub3A_199, %div3A_197 : vector<8x1024xf32>
    %gt3A_201 = arith.constant 0.000000e+00 : f32
    %gt3A_202 = vector.broadcast %gt3A_201 : f32 to vector<8x1024xf32>
    %gt3A_203 = arith.cmpf ogt, %add3A_76, %gt3A_202 : vector<8x1024xf32>
    %jit3A_204 = arith.constant 0.000000e+00 : f32
    %broadcast_in_dim3A_205 = vector.broadcast %jit3A_204 : f32 to vector<8x1024xf32>
    %select_n3A_206 = arith.select %gt3A_203, %sub3A_200, %broadcast_in_dim3A_205 : vector<8x1024xi1>, vector<8x1024xf32>
    %mul3A_207 = vector.broadcast %sub3A_167 : vector<1x1024xf32> to vector<8x1024xf32>
    %mul3A_208 = arith.mulf %select_n3A_206, %mul3A_207 : vector<8x1024xf32>
    %reduce_sum3A_209 = arith.constant dense<0.000000e+00> : vector<8xf32>
    %reduce_sum3A_210 = vector.multi_reduction <add>, %mul3A_208, %reduce_sum3A_209 [1] : vector<8x1024xf32> to vector<8xf32>
    %broadcast_in_dim3A_211 = vector.shape_cast %reduce_sum3A_210 : vector<8xf32> to vector<8x1xf32>
    %gt3A_212 = arith.constant 0.000000e+00 : f32
    %gt3A_213 = vector.broadcast %gt3A_212 : f32 to vector<8x1xf32>
    %gt3A_214 = arith.cmpf ogt, %slice3A_127, %gt3A_213 : vector<8x1xf32>
    %convert_element_type3A_215 = arith.extui %gt3A_214 : vector<8x1xi1> to vector<8x1xi32>
    %convert_element_type3A_216 = arith.sitofp %convert_element_type3A_215 : vector<8x1xi32> to vector<8x1xf32>
    %sub3A_217 = arith.subf %slice3A_128, %slice3A_127 : vector<8x1xf32>
    %gt3A_218 = arith.constant 0.000000e+00 : f32
    %gt3A_219 = vector.broadcast %gt3A_218 : f32 to vector<8x1xf32>
    %gt3A_220 = arith.cmpf ogt, %sub3A_217, %gt3A_219 : vector<8x1xf32>
    %convert_element_type3A_221 = arith.extui %gt3A_220 : vector<8x1xi1> to vector<8x1xi32>
    %convert_element_type3A_222 = arith.sitofp %convert_element_type3A_221 : vector<8x1xi32> to vector<8x1xf32>
    %mul3A_223 = arith.mulf %convert_element_type3A_222, %broadcast_in_dim3A_211 : vector<8x1xf32>
    %mul3A_224 = arith.mulf %convert_element_type3A_216, %broadcast_in_dim3A_186 : vector<8x1xf32>
    %add3A_225 = arith.addf %mul3A_223, %mul3A_224 : vector<8x1xf32>
    %add3A_226 = arith.addf %convert_element_type3A_222, %convert_element_type3A_216 : vector<8x1xf32>
    %max3A_227 = arith.constant 1.000000e+00 : f32
    %max3A_228 = vector.broadcast %max3A_227 : f32 to vector<8x1xf32>
    %max3A_229 = arith.maximumf %add3A_226, %max3A_228 : vector<8x1xf32>
    %div3A_230 = arith.divf %add3A_225, %max3A_229 : vector<8x1xf32>
    %reduce_sum3A_231 = vector.shape_cast %div3A_230 : vector<8x1xf32> to vector<1x8x1xf32>
    %reduce_sum3A_232 = arith.constant dense<0.000000e+00> : vector<1xf32>
    %reduce_sum3A_233 = vector.multi_reduction <add>, %reduce_sum3A_231, %reduce_sum3A_232 [1, 2] : vector<1x8x1xf32> to vector<1xf32>
    %reduce_sum3A_234 = vector.shape_cast %reduce_sum3A_233 : vector<1xf32> to vector<1x1x1xf32>
    %reduce_sum3A_235 = vector.extract %reduce_sum3A_234[0, 0, 0] : f32 from vector<1x1x1xf32>
    %div3A_236 = arith.constant 8.000000e+00 : f32
    %div3A_237 = arith.divf %reduce_sum3A_235, %div3A_236 : f32
    %get3A_238 = arith.constant 0 : index
    %get3A_239 = arith.constant 0 : index
    %get3A_240 = vector.load %arg3[%get3A_238, %get3A_239] : memref<8x8xf32, #tpu.memory_space<vmem>>, vector<8x8xf32>
    %reduce_max3A = arith.constant dense<0xFF800000> : vector<8xf32>
    %reduce_max3A_241 = vector.multi_reduction <maximumf>, %get3A_240, %reduce_max3A [1] : vector<8x8xf32> to vector<8xf32>
    %broadcast_in_dim3A_242 = vector.shape_cast %reduce_max3A_241 : vector<8xf32> to vector<8x1xf32>
    %sub3A_243 = vector.broadcast %broadcast_in_dim3A_242 : vector<8x1xf32> to vector<8x8xf32>
    %sub3A_244 = arith.subf %get3A_240, %sub3A_243 : vector<8x8xf32>
    %exp3A_245 = math.exp %sub3A_244 : vector<8x8xf32>
    %reduce_sum3A_246 = arith.constant dense<0.000000e+00> : vector<8xf32>
    %reduce_sum3A_247 = vector.multi_reduction <add>, %exp3A_245, %reduce_sum3A_246 [1] : vector<8x8xf32> to vector<8xf32>
    %broadcast_in_dim3A_248 = vector.shape_cast %reduce_sum3A_247 : vector<8xf32> to vector<8x1xf32>
    %log3A = math.log %broadcast_in_dim3A_248 : vector<8x1xf32>
    %add3A_249 = arith.addf %log3A, %broadcast_in_dim3A_242 : vector<8x1xf32>
    %sub3A_250 = vector.broadcast %add3A_249 : vector<8x1xf32> to vector<8x8xf32>
    %sub3A_251 = arith.subf %get3A_240, %sub3A_250 : vector<8x8xf32>
    %iota3A_252 = tpu.iota {dimensions = array<i32: 1>} : vector<8x8xi32>
    %get3A_253 = arith.constant 0 : index
    %get3A_254 = arith.constant 0 : index
    %get3A_255 = vector.load %arg4[%get3A_253, %get3A_254] : memref<8x1xi32, #tpu.memory_space<vmem>>, vector<8x1xi32>
    %eq3A_256 = vector.broadcast %get3A_255 : vector<8x1xi32> to vector<8x8xi32>
    %eq3A_257 = arith.cmpi eq, %iota3A_252, %eq3A_256 : vector<8x8xi32>
    %jit3A_258 = arith.constant 0.000000e+00 : f32
    %broadcast_in_dim3A_259 = vector.broadcast %jit3A_258 : f32 to vector<8x8xf32>
    %select_n3A_260 = arith.select %eq3A_257, %sub3A_251, %broadcast_in_dim3A_259 : vector<8x8xi1>, vector<8x8xf32>
    %reduce_sum3A_261 = arith.constant dense<0.000000e+00> : vector<8xf32>
    %reduce_sum3A_262 = vector.multi_reduction <add>, %select_n3A_260, %reduce_sum3A_261 [1] : vector<8x8xf32> to vector<8xf32>
    %reduce_sum3A_263 = vector.shape_cast %reduce_sum3A_262 : vector<8xf32> to vector<1x8xf32>
    %reduce_sum3A_264 = arith.constant dense<0.000000e+00> : vector<1xf32>
    %reduce_sum3A_265 = vector.multi_reduction <add>, %reduce_sum3A_263, %reduce_sum3A_264 [1] : vector<1x8xf32> to vector<1xf32>
    %reduce_sum3A_266 = vector.shape_cast %reduce_sum3A_265 : vector<1xf32> to vector<1x1xf32>
    %reduce_sum3A_267 = vector.extract %reduce_sum3A_266[0, 0] : f32 from vector<1x1xf32>
    %neg3A_268 = arith.constant 0.000000e+00 : f32
    %neg3A_269 = arith.subf %neg3A_268, %reduce_sum3A_267 : f32
    %div3A_270 = arith.constant 8.000000e+00 : f32
    %div3A_271 = arith.divf %neg3A_269, %div3A_270 : f32
    %get3A_272 = arith.constant 0 : index
    %get3A_273 = arith.constant 0 : index
    %get3A_274 = memref.load %arg1[%get3A_272, %get3A_273] : memref<1x2xf32, #tpu.memory_space<smem>>
    %mul3A_275 = arith.constant 2.000000e+00 : f32
    %mul3A_276 = arith.mulf %mul3A_275, %get3A_274 : f32
    %get3A_277 = arith.constant 0 : index
    %get3A_278 = arith.constant 1 : index
    %get3A_279 = memref.load %arg1[%get3A_277, %get3A_278] : memref<1x2xf32, #tpu.memory_space<smem>>
    %sub3A_280 = arith.subf %mul3A_276, %get3A_279 : f32
    %div3A_281 = arith.constant 0x4A000000 : f32
    %div3A_282 = arith.divf %get3A_274, %div3A_281 : f32
    %mul3A_283 = arith.constant 0.899999976 : f32
    %mul3A_284 = arith.mulf %mul3A_283, %div3A_282 : f32
    %div3A_285 = arith.constant 0x4A000000 : f32
    %div3A_286 = arith.divf %sub3A_280, %div3A_285 : f32
    %mul3A_287 = arith.constant 5.000000e-02 : f32
    %mul3A_288 = arith.mulf %mul3A_287, %div3A_286 : f32
    %add3A_289 = arith.addf %mul3A_284, %mul3A_288 : f32
    %get3A_290 = arith.constant 0 : index
    %get3A_291 = arith.constant 0 : index
    %get3A_292 = memref.load %arg2[%get3A_290, %get3A_291] : memref<1x1xf32, #tpu.memory_space<smem>>
    %div3A_293 = arith.constant 0x4AC00000 : f32
    %div3A_294 = arith.divf %get3A_292, %div3A_293 : f32
    %add3A_295 = arith.addf %add3A_289, %div3A_237 : f32
    %mul3A_296 = arith.constant 3.000000e+00 : f32
    %mul3A_297 = arith.mulf %mul3A_296, %add3A_295 : f32
    %add3A_298 = arith.addf %mul3A_297, %div3A_271 : f32
    %add3A_299 = arith.addf %add3A_298, %div3A_294 : f32
    %swap3A = arith.constant 0 : index
    %swap3A_300 = arith.constant 0 : index
    %swap3A_301 = memref.load %arg5[%swap3A, %swap3A_300] : memref<1x1xf32, #tpu.memory_space<smem>>
    memref.store %add3A_299, %arg5[%swap3A, %swap3A_300] : memref<1x1xf32, #tpu.memory_space<smem>>
    return
  }
}

module attributes {stable_mosaic.version = 14 : i64} {
  func.func @_tc_rec_body(%arg0: i32, %arg1: memref<2x3x512x512xf32, #tpu.memory_space<vmem>>, %arg2: memref<2x3x512x512xf32, #tpu.memory_space<vmem>>, %arg3: memref<1x1xf32, #tpu.memory_space<smem>>) attributes {dimension_semantics = [#tpu.dimension_semantics<arbitrary>], iteration_bounds = array<i64: 4>, scalar_prefetch = 0 : i64, scratch_operands = 0 : i64, tpu.core_type = #tpu.core_type<tc>, window_params = [{transform_indices = @transform_0, window_bounds = array<i64: 2, 3, 512, 512>}, {transform_indices = @transform_1, window_bounds = array<i64: 2, 3, 512, 512>}, {transform_indices = @transform_2, window_bounds = array<i64: 1, 1>}]} {
    %get3A = arith.constant 0 : index
    %get3A_0 = arith.constant 0 : index
    %get3A_1 = arith.constant 0 : index
    %get3A_2 = arith.constant 0 : index
    %get3A_3 = vector.load %arg1[%get3A, %get3A_0, %get3A_1, %get3A_2] : memref<2x3x512x512xf32, #tpu.memory_space<vmem>>, vector<2x3x512x512xf32>
    %get3A_4 = arith.constant 0 : index
    %get3A_5 = arith.constant 0 : index
    %get3A_6 = arith.constant 0 : index
    %get3A_7 = arith.constant 0 : index
    %get3A_8 = vector.load %arg2[%get3A_4, %get3A_5, %get3A_6, %get3A_7] : memref<2x3x512x512xf32, #tpu.memory_space<vmem>>, vector<2x3x512x512xf32>
    %sub3A = arith.subf %get3A_3, %get3A_8 : vector<2x3x512x512xf32>
    %abs3A = math.absf %sub3A : vector<2x3x512x512xf32>
    %reduce_sum3A = vector.shape_cast %abs3A : vector<2x3x512x512xf32> to vector<1x2x3x512x512xf32>
    %reduce_sum3A_9 = arith.constant dense<0.000000e+00> : vector<1xf32>
    %reduce_sum3A_10 = vector.multi_reduction <add>, %reduce_sum3A, %reduce_sum3A_9 [1, 2, 3, 4] : vector<1x2x3x512x512xf32> to vector<1xf32>
    %reduce_sum3A_11 = vector.shape_cast %reduce_sum3A_10 : vector<1xf32> to vector<1x1x1x1x1xf32>
    %reduce_sum3A_12 = vector.extract %reduce_sum3A_11[0, 0, 0, 0, 0] : f32 from vector<1x1x1x1x1xf32>
    %eq3A = arith.constant 0 : i32
    %eq3A_13 = arith.cmpi eq, %arg0, %eq3A : i32
    %convert_element_type3A = arith.extui %eq3A_13 : i1 to i32
    %cond3A = arith.constant 0 : i32
    %cond3A_14 = arith.cmpi ne, %convert_element_type3A, %cond3A : i32
    scf.if %cond3A_14 {
      %swap3A = arith.constant 0 : index
      %swap3A_19 = arith.constant 0 : index
      %swap3A_20 = memref.load %arg3[%swap3A, %swap3A_19] : memref<1x1xf32, #tpu.memory_space<smem>>
      memref.store %reduce_sum3A_12, %arg3[%swap3A, %swap3A_19] : memref<1x1xf32, #tpu.memory_space<smem>>
    } else {
    }
    %ne3A = arith.constant 0 : i32
    %ne3A_15 = arith.cmpi ne, %arg0, %ne3A : i32
    %convert_element_type3A_16 = arith.extui %ne3A_15 : i1 to i32
    %cond3A_17 = arith.constant 0 : i32
    %cond3A_18 = arith.cmpi ne, %convert_element_type3A_16, %cond3A_17 : i32
    scf.if %cond3A_18 {
      %get3A_19 = arith.constant 0 : index
      %get3A_20 = arith.constant 0 : index
      %get3A_21 = memref.load %arg3[%get3A_19, %get3A_20] : memref<1x1xf32, #tpu.memory_space<smem>>
      %add3A = arith.addf %get3A_21, %reduce_sum3A_12 : f32
      %swap3A = arith.constant 0 : index
      %swap3A_22 = arith.constant 0 : index
      %swap3A_23 = memref.load %arg3[%swap3A, %swap3A_22] : memref<1x1xf32, #tpu.memory_space<smem>>
      memref.store %add3A, %arg3[%swap3A, %swap3A_22] : memref<1x1xf32, #tpu.memory_space<smem>>
    } else {
    }
    return
  }
  func.func @transform_0(%arg0: i32) -> (i32, i32, i32, i32) {
    %c0_i32 = arith.constant 0 : i32
    %c0_i32_0 = arith.constant 0 : i32
    %c0_i32_1 = arith.constant 0 : i32
    %c0_i32_2 = arith.constant 0 : i32
    return %arg0, %c0_i32, %c0_i32_0, %c0_i32_1 : i32, i32, i32, i32
  }
  func.func @transform_1(%arg0: i32) -> (i32, i32, i32, i32) {
    %c0_i32 = arith.constant 0 : i32
    %c0_i32_0 = arith.constant 0 : i32
    %c0_i32_1 = arith.constant 0 : i32
    %c0_i32_2 = arith.constant 0 : i32
    return %arg0, %c0_i32, %c0_i32_0, %c0_i32_1 : i32, i32, i32, i32
  }
  func.func @transform_2(%arg0: i32) -> (i32, i32) {
    %c0_i32 = arith.constant 0 : i32
    %c0_i32_0 = arith.constant 0 : i32
    %c0_i32_1 = arith.constant 0 : i32
    return %c0_i32, %c0_i32_0 : i32, i32
  }
}

</mosaic_0001>

<sc_bundles>
// kernel: kernel.6.cloned.1.call-start
scs
__scs_entry_jumppad:
0x0: {  	(pc) =	sbr.rel $0x88, $3  }
0x1: {  	(tag) =	ssettag $0x0;
	lr =	simm.s32 $0x1  }
0x2: {  	[smem:$0x3F9B] =	sst lr;
	_ =	strace $0xD0000000  }
0x3: {  	_ = 	snop  }
0x4: {  	_ = 	snop  }
0x5: {  	_ = 	snop  }
0x6: {  	_ = 	snop  }
0x7: {  	_ = 	snop  }
__scs_overlays_trampoline_lowered:
0x8: {  	[smem:$0x3FAA] =	sst s0  }
0x9: {  	[smem:$0x3FAB] =	sst s1  }
0xa: {  	[smem:$0x3FAC] =	sst s2  }
0xb: {  	[smem:$0x3FAD] =	sst s3  }
0xc: {  	[smem:$0x3FAE] =	sst s4  }
0xd: {  	[smem:$0x3FAF] =	sst s5  }
0xe: {  	[smem:$0x3FB0] =	sst s6  }
0xf: {  	[smem:$0x3FB1] =	sst s7  }
0x10: {  	[smem:$0x3FB2] =	sst s8  }
0x11: {  	[smem:$0x3FB3] =	sst s9;
	s0 =	simm.s32 @!p0 $0x0  }
0x12: {  	s1 =	sld [smem:$0x3F99];
	s0 =	simm.s32 @p0 $0x1  }
0x13: {  	[smem:$0x3FB4] =	sst s0;
	s0 =	simm.s32 @!p1 $0x0  }
0x14: {  	s2 =	sld [smem:$0x3F98];
	s0 =	simm.s32 @p1 $0x1  }
0x15: {  	[smem:$0x3FB5] =	sst s0;
	s0 =	simm.s32 @!p2 $0x0  }
0x16: {  	s3 =	sld [smem:$0x3FDB];
	s0 =	simm.s32 @p2 $0x1  }
0x17: {  	s4 =	simm.s32 $0x1BF5;
	[smem:$0x3FB7] =	sst s0  }
0x18: {  	s0 =	sld [smem:$0x3F9A];
	_ =	swait.ge [sflag:s4], $0x0  }
0x19: {  	s7 =	sld [smem:$0x3F9B]  }
0x1a: {  	s8 =	sadd.s32 $0xFFFFE003, lr  }
0x1b: {  	s9 =	sadd.s32 $0xFFFFFEF7, lr;
	s5 =	simm.s32 $0xFFFFFFFF;
	p2 =	slt.u32 s8, $0xFFFFF086  }
0x1c: {  	p1 =	slt.u32 s9, $0xF7A;
	s5 =	simm.s32 @!p2 $0x0  }
0x1d: {  	s5 =	simm.s32 @p1 $0x1;
	p0 =	seq.s32 s7, s2  }
0x1e: {  	s7 =	smul.u32 @!p0 $0xF7A, s2;
	p2 =	seq.s32 @!p0 s5, $0x0  }
0x1f: {  	s9 =	smul.u32 $0xF7A, s1;
	s8 =	simm.s32 @!p0 $0x1BF5;
	p2 =	por !p2, p0  }
0x20: {  	[sflag:s8] =	ssyncset.s32 @!p0 $0xFFFFF086;
	s6 =	sadd.s32 @!p0 s3, s7;
	s7 =	simm.s32 @!p0 $0x108  }
0x21: {  	s3 =	sadd.s32 s3, s9;
	s6 =	sadd.s32 @!p0 $0x88, s6;
	s7 =	simm.s32 @p2 $0x1082  }
0x22: {  	[simem:s7], [sflag:s8] =	dma.local @!p0 [hbm:s6], $0xF7A  }
0x23: {  	s9 =	sor.u32 $0xD0000000, s2;
	s6 =	simm.s32 $0x108;
	_ =	swait.ge @!p0 [sflag:s8], $0x0  }
0x24: {  	s3 =	sadd.s32 $0x88, s3;
	s6 =	simm.s32 @!p1 $0x1082;
	[sflag:s4] =	ssyncset.s32 $0xFFFFF086  }
0x25: {  	[simem:s6], [sflag:s4] =	dma.local [hbm:s3], $0xF7A  }
0x26: {  	[smem:$0x3F9B] =	sst s1;
	(tag) =	ssettag s2;
	_ =	strace s9  }
0x27: {  	s1 =	sld [smem:$0x3FAB]  }
0x28: {  	s2 =	sld [smem:$0x3FAC]  }
0x29: {  	s4 =	sld [smem:$0x3FAE]  }
0x2a: {  	p0 =	seq.s32 s5, $0x0;
	s5 =	sld [smem:$0x3FAF]  }
0x2b: {  	s6 =	sld [smem:$0x3FB0]  }
0x2c: {  	s7 =	sld [smem:$0x3FB1]  }
0x2d: {  	s3 =	simm.s32 $0x108;
	s8 =	sld [smem:$0x3FB2]  }
0x2e: {  	s3 =	simm.s32 @!p0 $0x1082;
	s9 =	sld [smem:$0x3FB3]  }
0x2f: {  	lr =	sadd.s32 s0, s3;
	s0 =	sld [smem:$0x3FAA]  }
0x30: {  	s3 =	sld [smem:$0x3FAD]  }
0x31: {  	[smem:$0x3FB6] =	sst s10  }
0x32: {  	s10 =	sld [smem:$0x3FB4];
	_ =	sdelay $0x3  }
0x33: {  	p0 =	seq.s32 s10, $0x1;
	s10 =	sld [smem:$0x3FB6];
	_ =	sdelay $0x3  }
0x34: {  	[smem:$0x3FB6] =	sst s10  }
0x35: {  	s10 =	sld [smem:$0x3FB5];
	_ =	sdelay $0x3  }
0x36: {  	p1 =	seq.s32 s10, $0x1;
	s10 =	sld [smem:$0x3FB6];
	_ =	sdelay $0x3  }
0x37: {  	[smem:$0x3FB6] =	sst s10  }
0x38: {  	s10 =	sld [smem:$0x3FB7]  }
0x39: {  	_ = 	snop;
	(pc) =	sbr.ind lr, $3  }
0x3a: {  	_ = 	snop  }
0x3b: {  	_ = 	snop  }
0x3c: {  	p2 =	seq.s32 s10, $0x1;
	s10 =	sld [smem:$0x3FB6]  }
0x3d: {  	_ =	shalt  }
0x3e: {  	_ =	shalt  }
0x3f: {  	_ =	shalt  }
0x40: {  	_ =	shalt  }
0x41: {  	_ =	shalt  }
0x42: {  	_ =	shalt  }
0x43: {  	_ =	shalt  }
0x44: {  	_ =	shalt  }
0x45: {  	_ =	shalt  }
0x46: {  	_ =	shalt  }
0x47: {  	_ =	shalt  }
0x48: {  	_ =	shalt  }
0x49: {  	_ =	shalt  }
0x4a: {  	_ =	shalt  }
0x4b: {  	_ =	shalt  }
0x4c: {  	_ =	shalt  }
0x4d: {  	_ =	shalt  }
0x4e: {  	_ =	shalt  }
0x4f: {  	_ =	shalt  }
0x50: {  	_ =	shalt  }
0x51: {  	_ =	shalt  }
0x52: {  	_ =	shalt  }
0x53: {  	_ =	shalt  }
0x54: {  	_ =	shalt  }
0x55: {  	_ =	shalt  }
0x56: {  	_ =	shalt  }
0x57: {  	_ =	shalt  }
0x58: {  	_ =	shalt  }
0x59: {  	_ =	shalt  }
0x5a: {  	_ =	shalt  }
0x5b: {  	_ =	shalt  }
0x5c: {  	_ =	shalt  }
0x5d: {  	_ =	shalt  }
0x5e: {  	_ =	shalt  }
0x5f: {  	_ =	shalt  }
0x60: {  	_ =	shalt  }
0x61: {  	_ =	shalt  }
0x62: {  	_ =	shalt  }
0x63: {  	_ =	shalt  }
0x64: {  	_ =	shalt  }
0x65: {  	_ =	shalt  }
0x66: {  	_ =	shalt  }
0x67: {  	_ =	shalt  }
0x68: {  	_ =	shalt  }
0x69: {  	_ =	shalt  }
0x6a: {  	_ =	shalt  }
0x6b: {  	_ =	shalt  }
0x6c: {  	_ =	shalt  }
0x6d: {  	_ =	shalt  }
0x6e: {  	_ =	shalt  }
0x6f: {  	_ =	shalt  }
0x70: {  	_ =	shalt  }
0x71: {  	_ =	shalt  }
0x72: {  	_ =	shalt  }
0x73: {  	_ =	shalt  }
0x74: {  	_ =	shalt  }
0x75: {  	_ =	shalt  }
0x76: {  	_ =	shalt  }
0x77: {  	_ =	shalt  }
0x78: {  	_ =	shalt  }
0x79: {  	_ =	shalt  }
0x7a: {  	_ =	shalt  }
0x7b: {  	_ =	shalt  }
0x7c: {  	_ =	shalt  }
0x7d: {  	_ =	shalt  }
0x7e: {  	_ =	shalt  }
0x7f: {  	_ =	shalt  }
0x80: {  	_ =	shalt  }
0x81: {  	_ =	shalt  }
0x82: {  	_ =	shalt  }
0x83: {  	_ =	shalt  }
0x84: {  	_ =	shalt  }
0x85: {  	_ =	shalt  }
0x86: {  	_ =	shalt  }
0x87: {  	_ =	shalt  }
.Lfunc_end0:
.L_simem_size_0:
called_computation_lowered:
.L_overlay_start_0:
0x88: {  	s2 =	sld [smem:$0x3FD9]  }
0x89: {  	s3 =	sld [smem:$0x3FFE];
	_ =	sdelay $0x1  }
0x8a: {  	s1 =	srdreg.scid  }
0x8b: {  	s0 =	sand.u32 $0x1, s1  }
0x8c: {  	s16 =	sshll.u32 s0, $0xA;
	s2 =	sadd.s32 s3, s2  }
0x8d: {  	s2 =	sadd.s32 s2, s16  }
0x8e: {  	[smem:$0x3FC2] =	sst s2  }
0x8f: {  	_ = 	snop  }
0x90: {  	(tm) =	ssettm $0x1  }
0x91: {  	s17 =	sld [smem:$0x3FFB];
	_ =	sdelay $0x3  }
0x92: {  	_ =	strace s17  }
0x93: {  	s2 =	sld [smem:$0x3FFC];
	_ =	sdelay $0x3  }
0x94: {  	_ =	strace s2  }
0x95: {  	s2 =	sld [smem:$0x3FFD];
	_ =	sdelay $0x3  }
0x96: {  	_ =	strace s2  }
0x97: {  	_ =	strace $0x8FFFFFFF  }
0x98: {  	s18 =	sld [smem:$0x3FDB];
	_ =	sdelay $0x1  }
0x99: {  	s19 =	simm.s32 $_scs_section_size  }
0x9a: {  	s4 =	simm.s32 $_size__tile_overlayer_lowered;
	s5 =	simm.s32 $_tile_overlayer_lowered  }
0x9b: {  	s22 =	simm.s32 $0x1BFF;
	s21 =	sshll.u32 s5, $0x1;
	s2 =	sadd.s32 s19, s18  }
0x9c: {  	s6 =	simm.s32 $0x0;
	s20 =	sshll.u32 s4, $0x1;
	s4 =	sadd.s32 s21, s2  }
0x9d: {  	[timem:s6], [sflag:s22] =	dma.local [hbm:s4], s20  }
0x9e: {  	_ =	swait.ge [sflag:s22], s20  }
0x9f: {  	s3 =	ssub.s32 $0x0, s20;
	[sflag:s22] =	ssyncset.done $0x0  }
0xa0: {  	[sflag:s22] =	ssyncadd.s32 s3;
	_ =	sdelay $0x1  }
0xa1: {  	s23 =	simm.s32 $0x1B8B  }
0xa2: {  	_ =	swait.ge [sflag:s23], $0x1  }
0xa3: {  	[sflag:s23] =	ssyncset.done $0x0  }
0xa4: {  	s25 =	simm.s32 $0x1B8E;
	s24 =	sld [smem:$0x3FFE];
	[sflag:s23] =	ssyncadd.s32 $0xFFFFFFFF  }
0xa5: {  	s26 =	simm.s32 $execute0_lowered;
	[smem:$0x3FD2] =	sst s25  }
0xa6: {  	s4 =	sshll.u32 s26, $0x1;
	_ =	strace $0x80000046;
	[dreg:$0x1] =	wrdreg $0xFFFFFFFF  }
0xa7: {  	s28 =	simm.s32 $_size_execute0_lowered;
	s2 =	sadd.s32 s2, s4;
	[dreg:$0x0] =	wrdreg $0x0  }
0xa8: {  	s4 =	sshll.u32 s28, $0x1;
	[dreg:$0x2] =	wrdreg s2  }
0xa9: {  	[dreg:$0x3] =	wrdreg s4  }
0xaa: {  	[dreg:$0x4] =	wrdreg $0xC0  }
0xab: {  	_ =	task [dreg:s6], $0x5FFFF  }
0xac: {  	[dreg:$0x1] =	wrdreg $0xFFFFFFFF  }
0xad: {  	[dreg:$0x0] =	wrdreg $0x60  }
0xae: {  	[dreg:$0x2] =	wrdreg s24  }
0xaf: {  	[dreg:$0x3] =	wrdreg $0x9  }
0xb0: {  	_ =	task.clear_ibuf [dreg:s6], $0x4FFFF;
	_ =	strace $0x90000046  }
0xb1: {  	s29 =	simm.s32 $0x9;
	_ =	strace $0x80000048  }
0xb2: {  	_ =	swait.ge [sflag:s29], $0x1  }
0xb3: {  	[sflag:s29] =	ssyncadd.s32 $0xFFFFFFFF  }
0xb4: {  	_ =	strace $0x90000048  }
0xb5: {  	_ =	sfence  }
0xb6: {  	s30 =	sld [smem:$0x0];
	_ =	sdelay $0x2  }
0xb7: {  	s31 =	sshll.u32 s1, $0xD;
	s1 =	sshrl.u32 s1, $0x2  }
0xb8: {  	s3 =	sand.u32 $0x4000, s31;
	s1 =	sadd.s32 s1, s30  }
0xb9: {  	s0 =	sor.u32 s3, s0;
	s1 =	sshll.u32 s1, $0x11  }
0xba: {  	s0 =	sor.u32 s1, s0  }
0xbb: {  	s0 =	sadd.s32 $0x8F2B, s0  }
0xbc: {  	[sflag:s0] =	ssyncadd.remote.s32 $0x1  }
0xbd: {  	_ =	sfence.sel $0xFFFF  }
0xbe: {  	[dreg:$0x0] =	wrdreg $0xFFFFFFFF;
	(pc) =	sbr.abs _section_cstart, $3  }
0xbf: {  	[dreg:$0x1] =	wrdreg $0xFFFFFFFF  }
0xc0: {  	_ =	task.clear_ibuf [dreg:s6], $0x2FFFF;
	_ =	strace $0x9FFFFFFF  }
0xc1: {  	(tm) =	ssettm $0x7FFFFFFF  }
tec
execute0_lowered:
.L_overlay_start_1:
0x0: {  	(tag) =	ssettag $0x1  }
0x1: {  	s3 =	rddreg [dreg:$0x0]  }
0x2: {  	s0 =	rddreg [dreg:$0x1];
	s2 =	simm.s32 $0x0  }
0x3: {  	s1 =	stileid.u32;
	s5 =	srdreg.scid;
	s9 =	simm.s32 $0x18000  }
0x4: {  	s10 =	simm.s32 $0x0;
	[smem:$0x7FF] =	sst s2;
	s4 =	sshll.u32 s1, $0xE  }
0x5: {  	s6 =	sshll.u32 s1, $0x9;
	s5 =	sand.u32 $0x1, s5;
	s7 =	sshll.u32 s1, $0x1  }
0x6: {  	_ =	strace $0x80000047;
	s4 =	sand.u32 $0x38000, s4;
	s6 =	sand.u32 $0x1800, s6  }
0x7: {  	s7 =	sor.u32 s5, s7;
	s5 =	ssub.s32 $0x2, s5;
	s4 =	sadd.s32 s4, s3  }
0x8: {  	s3 =	sadd.s32 s6, s3;
	s30 =	sshll.u32 s7, $0xD;
	s7 =	sshll.u32 s7, $0x4  }
0x9: {  	s8 =	sshrl.u32 s5, $0x1;
	s6 =	sand.u32 $0x6000, s30;
	s7 =	sand.u32 $0x70, s7  }
0xa: {  	v1 =	vlaneseq.u32;
	s5 =	ssub.s32 s5, s8;
	s8 =	simm.s32 $0x400;
	s4 =	sadd.s32 s6, s4  }
0xb: {  	v1 =	vmul.u32 $0x800, v1;
	s31 =	sadd.s32 s7, s3;
	s5 =	smax.u32 s5, $0x1;
	s6 =	simm.s32 $0x1  }
0xc: {  	v0 =	vimm.f32 $0.0e+00;
	v2 =	vimm.f32 $1.000000000e+00;
	s7 =	simm.s32 $0x80;
	s3 =	sadd.s32 $0x1000, s4;
	s4 =	sadd.s32 $0x41000, s31  }
.LBB2_1:
0xd: {  	[tilespmem:s2], [sflag:$0x1] =	stream.linear.gather [hbm4b:s3+s2], $0x10000, $0x38;
	[tilespmem:$0x18800] =	vst v63  }
0xe: {  	_ =	swait.ge [sflag:s6], $0x10000  }
0xf: {  	[sflag:s6] =	ssyncset.done $0x0  }
0x10: {  	s11 =	simm.s32 $0x0;
	s12 =	simm.s32 $0x200;
	[sflag:s6] =	ssyncadd.s32 $0xFFFF0000  }
.LBB2_2:
0x11: {  	p0 =	sne.s32 s12, $0x1FE00;
	[tilespmem:s11+$0x10070] =	vst v0  }
0x12: {  	[tilespmem:s11+$0x10000] =	vst v0  }
0x13: {  	[tilespmem:s11+$0x10010] =	vst v0  }
.Ltmp0:
0x14: {  	[tilespmem:s11+$0x10020] =	vst v0;
	(pc) =	sbr.rel @p0 .LBB2_2-.Ltmp0, $4  }
0x15: {  	[tilespmem:s11+$0x10030] =	vst v0  }
0x16: {  	[tilespmem:s11+$0x10040] =	vst v0  }
0x17: {  	[tilespmem:s11+$0x10050] =	vst v0  }
0x18: {  	[tilespmem:s11+$0x10060] =	vst v0;
	s11 =	sshra.s32 s12, $0x2;
	s12 =	sadd.s32 $0x200, s12  }
0x19: {  	[tilespmem:s11+$0x10070] =	vst v0  }
0x1a: {  	[tilespmem:s11+$0x10000] =	vst v0  }
0x1b: {  	[tilespmem:s11+$0x10010] =	vst v0  }
0x1c: {  	[tilespmem:s11+$0x10020] =	vst v0  }
0x1d: {  	[tilespmem:s11+$0x10030] =	vst v0;
	s12 =	simm.s32 $0x0;
	s13 =	simm.s32 $0x0  }
0x1e: {  	[tilespmem:s11+$0x10040] =	vst v0;
	s15 =	simm.s32 $0x0;
	s13 =	sand.u32 $0xF000, s13;
	s14 =	sand.u32 $0xC00, s12  }
0x1f: {  	[tilespmem:s11+$0x10050] =	vst v0;
	s15 =	sand.u32 $0x380, s15;
	s13 =	sor.u32 s14, s13  }
0x20: {  	[tilespmem:s11+$0x10060] =	vst v0;
	s31 =	sor.u32 s15, s13  }
0x21: {  	v3 =	vld [tilespmem:s31+$0x70]  }
0x22: {  	v4 =	vld [tilespmem:s31+$0x0]  }
0x23: {  	v5 =	vld [tilespmem:s31+$0x10]  }
0x24: {  	v10 =	vld [tilespmem:s31+$0x20]  }
0x25: {  	v11 =	vld [tilespmem:s31+$0x30]  }
0x26: {  	v12 =	vld [tilespmem:s31+$0x40];
	v13 =	vadd.s32 v1, v3  }
0x27: {  	v8 =	vld [tilespmem:s31+$0x50];
	v9 =	vadd.s32 v1, v4  }
0x28: {  	v7 =	vld [tilespmem:s31+$0x60];
	v6 =	vadd.s32 v1, v5  }
0x29: {  	v3 =	vadd.s32 v1, v10  }
0x2a: {  	s13 =	simm.s32 $0x10000;
	v4 =	vadd.s32 v1, v11  }
0x2b: {  	s14 =	simm.s32 $0x0;
	s15 =	simm.s32 $0x0;
	v5 =	vadd.s32 v1, v12;
	[tilespmem:v13+s13+$0x0] =	vst.idx.add.f32.msk $0xffff, v2  }
.LBB2_4:
0x2c: {  	s14 =	sadd.s32 $0x8, s14;
	[tilespmem:v9+s13+$0x0] =	vst.idx.add.f32.msk $0xffff, v2;
	v10 =	vadd.s32 v1, v8  }
0x2d: {  	s15 =	sadd.s32 $0x400, s15;
	s11 =	sshll.u32 s14, $0x4;
	p0 =	slt.u32 s14, $0xFF8;
	[tilespmem:v6+s13+$0x0] =	vst.idx.add.f32.msk $0xffff, v2;
	v11 =	vadd.s32 v1, v7  }
0x2e: {  	s16 =	sand.u32 $0xC00, s15;
	s17 =	sshll.u32 s14, $0x2;
	s11 =	sand.u32 $0xF000, s11;
	[tilespmem:v3+s13+$0x0] =	vst.idx.add.f32.msk $0xffff, v2  }
0x2f: {  	s17 =	sand.u32 $0x380, s17;
	s11 =	sor.u32 s16, s11;
	[tilespmem:v4+s13+$0x0] =	vst.idx.add.f32.msk $0xffff, v2  }
0x30: {  	s11 =	sor.u32 s17, s11;
	[tilespmem:v5+s13+$0x0] =	vst.idx.add.f32.msk $0xffff, v2  }
0x31: {  	v3 =	vld [tilespmem:s11+$0x70]  }
0x32: {  	v4 =	vld [tilespmem:s11+$0x0]  }
0x33: {  	v5 =	vld [tilespmem:s11+$0x10]  }
0x34: {  	v12 =	vld [tilespmem:s11+$0x20]  }
0x35: {  	v13 =	vld [tilespmem:s11+$0x30]  }
0x36: {  	v14 =	vld [tilespmem:s11+$0x40];
	v15 =	vadd.s32 v1, v3  }
.Ltmp1:
0x37: {  	v9 =	vadd.s32 v1, v4;
	v8 =	vld [tilespmem:s11+$0x50];
	(pc) =	sbr.rel @p0 .LBB2_4-.Ltmp1, $4  }
0x38: {  	v6 =	vadd.s32 v1, v5;
	v7 =	vld [tilespmem:s11+$0x60]  }
0x39: {  	v3 =	vadd.s32 v1, v12;
	[tilespmem:v10+s13+$0x0] =	vst.idx.add.f32.msk $0xffff, v2  }
0x3a: {  	v4 =	vadd.s32 v1, v13;
	[tilespmem:v11+s13+$0x0] =	vst.idx.add.f32.msk $0xffff, v2  }
0x3b: {  	s11 =	simm.s32 $0x18000;
	v5 =	vadd.s32 v1, v14;
	[tilespmem:v15+s13+$0x0] =	vst.idx.add.f32.msk $0xffff, v2  }
0x3c: {  	_ =	sdelay $0x3  }
0x3d: {  	[tilespmem:v9+s13+$0x0] =	vst.idx.add.f32.msk $0xffff, v2;
	v8 =	vadd.s32 v1, v8  }
0x3e: {  	[tilespmem:v6+s13+$0x0] =	vst.idx.add.f32.msk $0xffff, v2;
	v59 =	vadd.s32 v1, v7  }
0x3f: {  	[tilespmem:v3+s13+$0x0] =	vst.idx.add.f32.msk $0xffff, v2  }
0x40: {  	[tilespmem:v4+s13+$0x0] =	vst.idx.add.f32.msk $0xffff, v2  }
0x41: {  	[tilespmem:v5+s13+$0x0] =	vst.idx.add.f32.msk $0xffff, v2  }
0x42: {  	[tilespmem:v8+s13+$0x0] =	vst.idx.add.f32.msk $0xffff, v2  }
0x43: {  	s12 =	sand.u32 $0x7F0, s12;
	[tilespmem:v59+s13+$0x0] =	vst.idx.add.f32.msk $0xffff, v2  }
0x44: {  	v3 =	vld [tilespmem:s12+$0x10800]  }
0x45: {  	v4 =	vld [tilespmem:s13+$0x0];
	_ =	sdelay $0x1  }
0x46: {  	v5 =	vld [tilespmem:s12+$0x11000];
	_ =	sdelay $0x1  }
0x47: {  	v6 =	vld [tilespmem:s12+$0x11800]  }
0x48: {  	v3 =	vadd.f32 v3, v4  }
0x49: {  	v4 =	vld [tilespmem:s12+$0x12000]  }
0x4a: {  	v3 =	vadd.f32 v5, v3  }
0x4b: {  	v5 =	vld [tilespmem:s12+$0x12800]  }
0x4c: {  	v3 =	vadd.f32 v6, v3  }
0x4d: {  	v60 =	vld [tilespmem:s12+$0x13000]  }
0x4e: {  	v3 =	vadd.f32 v4, v3  }
0x4f: {  	v4 =	vld [tilespmem:s12+$0x13800]  }
0x50: {  	v3 =	vadd.f32 v5, v3  }
0x51: {  	v5 =	vld [tilespmem:s12+$0x14000]  }
0x52: {  	v3 =	vadd.f32 v60, v3  }
0x53: {  	v61 =	vld [tilespmem:s12+$0x14800]  }
0x54: {  	v3 =	vadd.f32 v4, v3  }
0x55: {  	v4 =	vld [tilespmem:s12+$0x15000]  }
0x56: {  	v3 =	vadd.f32 v5, v3  }
0x57: {  	v5 =	vld [tilespmem:s12+$0x15800]  }
0x58: {  	v3 =	vadd.f32 v61, v3  }
0x59: {  	v62 =	vld [tilespmem:s12+$0x16000]  }
0x5a: {  	v3 =	vadd.f32 v4, v3  }
0x5b: {  	v4 =	vld [tilespmem:s12+$0x16800]  }
0x5c: {  	v3 =	vadd.f32 v5, v3  }
0x5d: {  	v5 =	vld [tilespmem:s12+$0x17000]  }
0x5e: {  	v3 =	vadd.f32 v62, v3  }
0x5f: {  	v63 =	vld [tilespmem:s12+$0x17800]  }
0x60: {  	v3 =	vadd.f32 v4, v3;
	_ =	sdelay $0x1  }
0x61: {  	v3 =	vadd.f32 v5, v3;
	_ =	sdelay $0x1  }
0x62: {  	v3 =	vadd.f32 v63, v3  }
0x63: {  	s31 =	simm.s32 $0x10  }
0x64: {  	s12 =	sand.u32 $0x7F0, s31;
	[tilespmem:s11+$0x0] =	vst v3  }
0x65: {  	s14 =	simm.s32 $0x20;
	s13 =	simm.s32 $0x10010;
	v3 =	vld [tilespmem:s12+$0x10800]  }
.LBB2_6:
0x66: {  	p0 =	sne.s32 s14, $0x7F0;
	v4 =	vld [tilespmem:s13+$0x0];
	_ =	sdelay $0x1  }
0x67: {  	v5 =	vld [tilespmem:s12+$0x11000];
	_ =	sdelay $0x1  }
0x68: {  	v6 =	vld [tilespmem:s12+$0x11800]  }
0x69: {  	v3 =	vadd.f32 v3, v4  }
0x6a: {  	v4 =	vld [tilespmem:s12+$0x12000]  }
0x6b: {  	v3 =	vadd.f32 v5, v3  }
0x6c: {  	v5 =	vld [tilespmem:s12+$0x12800]  }
0x6d: {  	v3 =	vadd.f32 v6, v3  }
0x6e: {  	v6 =	vld [tilespmem:s12+$0x13000]  }
0x6f: {  	v3 =	vadd.f32 v4, v3  }
0x70: {  	v4 =	vld [tilespmem:s12+$0x13800]  }
0x71: {  	v3 =	vadd.f32 v5, v3  }
0x72: {  	v5 =	vld [tilespmem:s12+$0x14000]  }
0x73: {  	v3 =	vadd.f32 v6, v3  }
0x74: {  	v6 =	vld [tilespmem:s12+$0x14800]  }
0x75: {  	v3 =	vadd.f32 v4, v3  }
0x76: {  	v4 =	vld [tilespmem:s12+$0x15000]  }
0x77: {  	v3 =	vadd.f32 v5, v3  }
0x78: {  	v5 =	vld [tilespmem:s12+$0x15800]  }
0x79: {  	v3 =	vadd.f32 v6, v3  }
0x7a: {  	v6 =	vld [tilespmem:s12+$0x16000]  }
0x7b: {  	v3 =	vadd.f32 v4, v3  }
0x7c: {  	v4 =	vld [tilespmem:s12+$0x16800]  }
0x7d: {  	v3 =	vadd.f32 v5, v3  }
0x7e: {  	v5 =	vld [tilespmem:s12+$0x17000]  }
0x7f: {  	v3 =	vadd.f32 v6, v3  }
0x80: {  	v6 =	vld [tilespmem:s12+$0x17800]  }
0x81: {  	v3 =	vadd.f32 v4, v3;
	_ =	sdelay $0x1  }
0x82: {  	v3 =	vadd.f32 v5, v3  }
.Ltmp2:
0x83: {  	(pc) =	sbr.rel @p0 .LBB2_6-.Ltmp2, $4  }
0x84: {  	v3 =	vadd.f32 v6, v3  }
0x85: {  	s11 =	sadd.s32 $0x10, s11  }
0x86: {  	s12 =	sand.u32 $0x7F0, s14;
	[tilespmem:s11+$0x0] =	vst v3  }
0x87: {  	s13 =	sadd.s32 $0x10, s13;
	s14 =	sadd.s32 $0x10, s14;
	v3 =	vld [tilespmem:s12+$0x10800]  }
0x88: {  	v4 =	vld [tilespmem:s13+$0x0];
	_ =	sdelay $0x1  }
0x89: {  	v5 =	vld [tilespmem:s12+$0x11000];
	_ =	sdelay $0x1  }
0x8a: {  	v6 =	vld [tilespmem:s12+$0x11800]  }
0x8b: {  	v3 =	vadd.f32 v3, v4  }
0x8c: {  	v52 =	vld [tilespmem:s12+$0x12000]  }
0x8d: {  	v3 =	vadd.f32 v5, v3  }
0x8e: {  	v53 =	vld [tilespmem:s12+$0x12800]  }
0x8f: {  	v3 =	vadd.f32 v6, v3  }
0x90: {  	v54 =	vld [tilespmem:s12+$0x13000]  }
0x91: {  	v3 =	vadd.f32 v52, v3  }
0x92: {  	v55 =	vld [tilespmem:s12+$0x13800]  }
0x93: {  	v3 =	vadd.f32 v53, v3  }
0x94: {  	v56 =	vld [tilespmem:s12+$0x14000]  }
0x95: {  	v3 =	vadd.f32 v54, v3  }
0x96: {  	v57 =	vld [tilespmem:s12+$0x14800]  }
0x97: {  	v3 =	vadd.f32 v55, v3  }
0x98: {  	v58 =	vld [tilespmem:s12+$0x15000]  }
0x99: {  	v3 =	vadd.f32 v56, v3  }
0x9a: {  	v59 =	vld [tilespmem:s12+$0x15800]  }
0x9b: {  	v3 =	vadd.f32 v57, v3  }
0x9c: {  	v60 =	vld [tilespmem:s12+$0x16000]  }
0x9d: {  	v3 =	vadd.f32 v58, v3  }
0x9e: {  	v61 =	vld [tilespmem:s12+$0x16800]  }
0x9f: {  	v3 =	vadd.f32 v59, v3  }
0xa0: {  	v62 =	vld [tilespmem:s12+$0x17000]  }
0xa1: {  	v3 =	vadd.f32 v60, v3  }
0xa2: {  	v63 =	vld [tilespmem:s12+$0x17800]  }
0xa3: {  	v3 =	vadd.f32 v61, v3;
	_ =	sdelay $0x1  }
0xa4: {  	v3 =	vadd.f32 v62, v3;
	_ =	sdelay $0x1  }
0xa5: {  	s10 =	sadd.s32 $0x1, s10;
	v3 =	vadd.f32 v63, v3  }
0xa6: {  	s11 =	sadd.s32 $0x10, s11;
	p0 =	sne.s32 s10, s5  }
.Ltmp3:
0xa7: {  	[tilespmem:s11+$0x0] =	vst v3;
	(pc) =	sbr.rel @p0 .LBB2_1-.Ltmp3, $4  }
0xa8: {  	[hbm4b:s4+s7] =	stream.strided.scatter [tilespmem:s9], [sflag:$0x1], $0x800, s8, s7, $0x38;
	[tilespmem:$0x18800] =	vst v63  }
0xa9: {  	_ =	swait.ge [sflag:s6], $0x800  }
0xaa: {  	[sflag:s6] =	ssyncset.done $0x0  }
0xab: {  	[sflag:s6] =	ssyncadd.s32 $0xFFFFF800  }
0xac: {  	_ =	sfence.sel $0x180000  }
0xad: {  	[bflag:$0x0] =	sbarrier.arrive $0xFFFF  }
0xae: {  	p0 =	sne.s32 s1, $0x0;
	_ =	strace $0x90000047  }
0xaf: {  	s0 =	sadd.s32 @!p0 $0x100000, s0;
	[bflag:$0x2] =	sbarrier.arrive $0xFFFF  }
0xb0: {  	[sflag:s0] =	ssyncadd.tile.s32 @!p0 $0x1;
	_ =	shalt  }
.Lfunc_end2:
_tile_overlayer_lowered:
.L_overlay_start_2:
0xb1: {  	(tag) =	ssettag $0x2  }
0xb2: {  	s0 =	rddreg [dreg:$0x0];
	s2 =	stileid.u32  }
0xb3: {  	s1 =	rddreg [dreg:$0x1];
	p0 =	sne.s32 s2, $0x0  }
0xb4: {  	s3 =	rddreg [dreg:$0x2];
	[bflag:$0x3] =	sbarrier.arrive $0xFFFF;
	s2 =	simm.s32 @!p0 $0x1C01  }
0xb5: {  	[timem:s3], [sflag:s2] =	dma.local @!p0 [hbm:s0], s1  }
0xb6: {  	s0 =	simm.s32 @!p0 $0x1  }
0xb7: {  	_ =	swait.ge @!p0 [sflag:s0], s1  }
0xb8: {  	s1 =	ssub.s32 @!p0 $0x0, s1;
	[sflag:s0] =	ssyncset.done @!p0 $0x0  }
0xb9: {  	[sflag:s0] =	ssyncadd.s32 @!p0 s1  }
0xba: {  	[bflag:$0x3] =	sbarrier.arrive $0xFFFF  }
0xbb: {  	_ =	shalt  }

</sc_bundles>
